<compile_context>
chip_gen: v7x
topology: tpu7x:2x2x1
jax: 0.10.2.dev20260603
libtpu: 0.0.44.dev20260713+nightly
codegen_flags: <defaults>
</compile_context>

<pallas_src>
import functools

import jax
import jax.numpy as jnp
from jax import lax
from jax.experimental import pallas as pl
from jax.experimental.pallas import tpu as pltpu
from jax.experimental.pallas import tpu_sc as plsc

_B = 16384

_NC = 2
_NS = 16
_NW = _NC * _NS
_BPW = _B // _NW
_CHUNK = 128
_NCHUNK = _BPW // _CHUNK
_L = 16


def _sc_body(x_hbm, w_hbm, out_hbm, xv, idxv, outv, sem):
    wid = lax.axis_index("s") * _NC + lax.axis_index("c")
    base = wid * _BPW

    pltpu.sync_copy(x_hbm.at[pl.ds(base * 3, 3 * _BPW)], xv)

    it3 = lax.iota(jnp.int32, _L) * 3
    for g in range(_BPW // _L):
        b0 = 3 * _L * g
        i0 = plsc.load_gather(xv, [it3 + b0])
        i1 = plsc.load_gather(xv, [it3 + (b0 + 1)])
        i2 = plsc.load_gather(xv, [it3 + (b0 + 2)])
        j, k = divmod(g, _CHUNK // _L)
        idxv[j, pl.ds(k * _L, _L)] = i0 * 10000 + i1 * 100 + i2

    copies = [
        pltpu.async_copy(
            w_hbm.at[idxv.at[j]],
            outv.at[pl.ds(j * _CHUNK, _CHUNK)],
            sem,
        )
        for j in range(_NCHUNK)
    ]
    for c in copies:
        c.wait()

    pltpu.sync_copy(outv, out_hbm.at[pl.ds(base, _BPW)])


@functools.partial(jax.jit)
def _sc_gather(x_flat, w_flat):
    mesh = plsc.VectorSubcoreMesh(core_axis_name="c", subcore_axis_name="s")
    return pl.kernel(
        _sc_body,
        mesh=mesh,
        compiler_params=pltpu.CompilerParams(needs_layout_passes=False),
        out_type=jax.ShapeDtypeStruct((_B,), jnp.float32),
        scratch_types=[
            pltpu.VMEM((3 * _BPW,), jnp.int32),
            pltpu.VMEM((_NCHUNK, _CHUNK), jnp.int32),
            pltpu.VMEM((_BPW,), jnp.float32),
            pltpu.SemaphoreType.DMA,
        ],
    )(x_flat, w_flat)


def kernel(x, W):
    x_flat = x.astype(jnp.int32).reshape(-1)
    w_flat = W.reshape(-1)
    return _sc_gather(x_flat, w_flat).reshape(_B, 1)

# --- scband reference (transcript-rebuilt; emitter-appended) ---
"""Pipeline reference for scband-clique-function-19215683682357 (READ-ONLY COPY).

The authoritative reference and input builder live on the scoring server;
editing this copy changes nothing except your own understanding.
"""

import jax, jax.numpy as jnp
import numpy as np

DOMAINS = (100, 100, 100)
BATCH = 16384


def setup_inputs(seed: int = 0) -> dict:
    key = jax.random.key(seed)
    kx, kw = jax.random.split(key)
    x = jax.random.randint(kx, (BATCH, len(DOMAINS)), 0, 100, dtype=jnp.int64 if jax.config.jax_enable_x64 else jnp.int32)
    # learned clique weight tensor, shape = domain lengths, filled with fill_value=0.0
    # (use small random values instead of all-zeros so gradients/outputs are nontrivial)
    W = jax.random.normal(kw, DOMAINS, dtype=jnp.float32) * 0.01
    return {"x": x, "W": W}


def reference(x, W):
    # torch: self.weights[x.chunk(len(self.random_variables), -1)]
    # x: [B, 3] -> three [B, 1] index tensors -> advanced indexing -> [B, 1]
    i0, i1, i2 = jnp.split(x, len(DOMAINS), axis=-1)
    return W[i0, i1, i2]

if __name__ == "__main__":
    import jax
    _d = setup_inputs()
    print(jax.jit(kernel)(*tuple(_d.values())))

</pallas_src>

<mosaic_0001>
#map = affine_map<(d0, d1) -> (0)>
module attributes {stable_mosaic.version = 14 : i64} {
  func.func @_sc_body(%arg0: i32, %arg1: i32, %arg2: memref<49152xi32, #tpu.memory_space<hbm>>, %arg3: memref<1000000xf32, #tpu.memory_space<hbm>>, %arg4: memref<16384xf32, #tpu.memory_space<hbm>>, %arg5: memref<1536xi32, #tpu.memory_space<vmem>>, %arg6: memref<4x128xi32, #tpu.memory_space<vmem>>, %arg7: memref<512xf32, #tpu.memory_space<vmem>>, %arg8: memref<!tpu.dma_semaphore, #tpu.memory_space<semaphore_mem>>) attributes {dimension_semantics = [#tpu.dimension_semantics<core_parallel>, #tpu.dimension_semantics<subcore_parallel>], iteration_bounds = array<i64: 2, 16>, scalar_prefetch = 0 : i64, scratch_operands = 4 : i64, tpu.core_type = #tpu.core_type<sc_vector_subcore>, window_params = [{transform_indices = #map}, {transform_indices = #map}, {transform_indices = #map}]} {
    %mul3A = arith.constant 2 : i32
    %mul3A_0 = arith.muli %arg1, %mul3A : i32
    %add3A = arith.addi %mul3A_0, %arg0 : i32
    %mul3A_1 = arith.constant 512 : i32
    %mul3A_2 = arith.muli %add3A, %mul3A_1 : i32
    %mul3A_3 = arith.constant 3 : i32
    %mul3A_4 = arith.muli %mul3A_2, %mul3A_3 : i32
    "tpu.region"() ({
      %run_scoped3A = tpu.sem_alloc : memref<!tpu.dma_semaphore, #tpu.memory_space<semaphore_mem>>
      %dma_start3A_836 = tpu.memref_slice %arg2[%mul3A_4] : memref<49152xi32, #tpu.memory_space<hbm>> -> memref<1536xi32, #tpu.memory_space<hbm>>
      %dma_start3A_837 = tpu.memref_slice %arg2[%mul3A_4] : memref<49152xi32, #tpu.memory_space<hbm>> -> memref<1536xi32, #tpu.memory_space<hbm>>
      tpu.enqueue_dma source(%dma_start3A_837 : memref<1536xi32, #tpu.memory_space<hbm>>) target(%arg5 : memref<1536xi32, #tpu.memory_space<vmem>>) target_semaphore(%run_scoped3A : memref<!tpu.dma_semaphore, #tpu.memory_space<semaphore_mem>>)
      %dma_wait3A_838 = tpu.memref_slice %arg2[%mul3A_4] : memref<49152xi32, #tpu.memory_space<hbm>> -> memref<1536xi32, #tpu.memory_space<hbm>>
      %dma_wait3A_839 = tpu.memref_slice %arg2[%mul3A_4] : memref<49152xi32, #tpu.memory_space<hbm>> -> memref<1536xi32, #tpu.memory_space<hbm>>
      tpu.wait_dma2 semaphore(%run_scoped3A : memref<!tpu.dma_semaphore, #tpu.memory_space<semaphore_mem>>) src(%dma_wait3A_839 : memref<1536xi32, #tpu.memory_space<hbm>>) dst(%arg5 : memref<1536xi32, #tpu.memory_space<vmem>>)
      tpu.yield
    }) : () -> ()
    %iota3A = tpu.iota {dimensions = array<i32: 0>} : vector<16xi32>
    %mul3A_5 = arith.constant 3 : i32
    %mul3A_6 = vector.broadcast %mul3A_5 : i32 to vector<16xi32>
    %mul3A_7 = arith.muli %iota3A, %mul3A_6 : vector<16xi32>
    %add3A_8 = arith.constant 0 : i32
    %add3A_9 = vector.broadcast %add3A_8 : i32 to vector<16xi32>
    %add3A_10 = arith.addi %mul3A_7, %add3A_9 : vector<16xi32>
    %gather3A = tpu.vector_load_idx %arg5[%add3A_10] : memref<1536xi32, #tpu.memory_space<vmem>>[vector<16xi32>], vector<16xi32>,
    %add3A_11 = arith.constant 1 : i32
    %add3A_12 = vector.broadcast %add3A_11 : i32 to vector<16xi32>
    %add3A_13 = arith.addi %mul3A_7, %add3A_12 : vector<16xi32>
    %gather3A_14 = tpu.vector_load_idx %arg5[%add3A_13] : memref<1536xi32, #tpu.memory_space<vmem>>[vector<16xi32>], vector<16xi32>,
    %add3A_15 = arith.constant 2 : i32
    %add3A_16 = vector.broadcast %add3A_15 : i32 to vector<16xi32>
    %add3A_17 = arith.addi %mul3A_7, %add3A_16 : vector<16xi32>
    %gather3A_18 = tpu.vector_load_idx %arg5[%add3A_17] : memref<1536xi32, #tpu.memory_space<vmem>>[vector<16xi32>], vector<16xi32>,
    %mul3A_19 = arith.constant 10000 : i32
    %mul3A_20 = vector.broadcast %mul3A_19 : i32 to vector<16xi32>
    %mul3A_21 = arith.muli %gather3A, %mul3A_20 : vector<16xi32>
    %mul3A_22 = arith.constant 100 : i32
    %mul3A_23 = vector.broadcast %mul3A_22 : i32 to vector<16xi32>
    %mul3A_24 = arith.muli %gather3A_14, %mul3A_23 : vector<16xi32>
    %add3A_25 = arith.addi %mul3A_21, %mul3A_24 : vector<16xi32>
    %add3A_26 = arith.addi %add3A_25, %gather3A_18 : vector<16xi32>
    %swap3A = arith.constant 0 : i32
    %swap3A_27 = arith.index_cast %swap3A : i32 to index
    %swap3A_28 = arith.constant 0 : index
    %swap3A_29 = tpu.vector_load %arg6[%swap3A_27, %swap3A_28] {strides = array<i32>} : memref<4x128xi32, #tpu.memory_space<vmem>>, vector<16xi32>,
    tpu.vector_store %arg6[%swap3A_27, %swap3A_28], %add3A_26 {strides = array<i32>} : memref<4x128xi32, #tpu.memory_space<vmem>>, vector<16xi32>,
    %add3A_30 = arith.constant 48 : i32
    %add3A_31 = vector.broadcast %add3A_30 : i32 to vector<16xi32>
    %add3A_32 = arith.addi %mul3A_7, %add3A_31 : vector<16xi32>
    %gather3A_33 = tpu.vector_load_idx %arg5[%add3A_32] : memref<1536xi32, #tpu.memory_space<vmem>>[vector<16xi32>], vector<16xi32>,
    %add3A_34 = arith.constant 49 : i32
    %add3A_35 = vector.broadcast %add3A_34 : i32 to vector<16xi32>
    %add3A_36 = arith.addi %mul3A_7, %add3A_35 : vector<16xi32>
    %gather3A_37 = tpu.vector_load_idx %arg5[%add3A_36] : memref<1536xi32, #tpu.memory_space<vmem>>[vector<16xi32>], vector<16xi32>,
    %add3A_38 = arith.constant 50 : i32
    %add3A_39 = vector.broadcast %add3A_38 : i32 to vector<16xi32>
    %add3A_40 = arith.addi %mul3A_7, %add3A_39 : vector<16xi32>
    %gather3A_41 = tpu.vector_load_idx %arg5[%add3A_40] : memref<1536xi32, #tpu.memory_space<vmem>>[vector<16xi32>], vector<16xi32>,
    %mul3A_42 = arith.constant 10000 : i32
    %mul3A_43 = vector.broadcast %mul3A_42 : i32 to vector<16xi32>
    %mul3A_44 = arith.muli %gather3A_33, %mul3A_43 : vector<16xi32>
    %mul3A_45 = arith.constant 100 : i32
    %mul3A_46 = vector.broadcast %mul3A_45 : i32 to vector<16xi32>
    %mul3A_47 = arith.muli %gather3A_37, %mul3A_46 : vector<16xi32>
    %add3A_48 = arith.addi %mul3A_44, %mul3A_47 : vector<16xi32>
    %add3A_49 = arith.addi %add3A_48, %gather3A_41 : vector<16xi32>
    %swap3A_50 = arith.constant 0 : i32
    %swap3A_51 = arith.index_cast %swap3A_50 : i32 to index
    %swap3A_52 = arith.constant 16 : index
    %swap3A_53 = tpu.vector_load %arg6[%swap3A_51, %swap3A_52] {strides = array<i32>} : memref<4x128xi32, #tpu.memory_space<vmem>>, vector<16xi32>,
    tpu.vector_store %arg6[%swap3A_51, %swap3A_52], %add3A_49 {strides = array<i32>} : memref<4x128xi32, #tpu.memory_space<vmem>>, vector<16xi32>,
    %add3A_54 = arith.constant 96 : i32
    %add3A_55 = vector.broadcast %add3A_54 : i32 to vector<16xi32>
    %add3A_56 = arith.addi %mul3A_7, %add3A_55 : vector<16xi32>
    %gather3A_57 = tpu.vector_load_idx %arg5[%add3A_56] : memref<1536xi32, #tpu.memory_space<vmem>>[vector<16xi32>], vector<16xi32>,
    %add3A_58 = arith.constant 97 : i32
    %add3A_59 = vector.broadcast %add3A_58 : i32 to vector<16xi32>
    %add3A_60 = arith.addi %mul3A_7, %add3A_59 : vector<16xi32>
    %gather3A_61 = tpu.vector_load_idx %arg5[%add3A_60] : memref<1536xi32, #tpu.memory_space<vmem>>[vector<16xi32>], vector<16xi32>,
    %add3A_62 = arith.constant 98 : i32
    %add3A_63 = vector.broadcast %add3A_62 : i32 to vector<16xi32>
    %add3A_64 = arith.addi %mul3A_7, %add3A_63 : vector<16xi32>
    %gather3A_65 = tpu.vector_load_idx %arg5[%add3A_64] : memref<1536xi32, #tpu.memory_space<vmem>>[vector<16xi32>], vector<16xi32>,
    %mul3A_66 = arith.constant 10000 : i32
    %mul3A_67 = vector.broadcast %mul3A_66 : i32 to vector<16xi32>
    %mul3A_68 = arith.muli %gather3A_57, %mul3A_67 : vector<16xi32>
    %mul3A_69 = arith.constant 100 : i32
    %mul3A_70 = vector.broadcast %mul3A_69 : i32 to vector<16xi32>
    %mul3A_71 = arith.muli %gather3A_61, %mul3A_70 : vector<16xi32>
    %add3A_72 = arith.addi %mul3A_68, %mul3A_71 : vector<16xi32>
    %add3A_73 = arith.addi %add3A_72, %gather3A_65 : vector<16xi32>
    %swap3A_74 = arith.constant 0 : i32
    %swap3A_75 = arith.index_cast %swap3A_74 : i32 to index
    %swap3A_76 = arith.constant 32 : index
    %swap3A_77 = tpu.vector_load %arg6[%swap3A_75, %swap3A_76] {strides = array<i32>} : memref<4x128xi32, #tpu.memory_space<vmem>>, vector<16xi32>,
    tpu.vector_store %arg6[%swap3A_75, %swap3A_76], %add3A_73 {strides = array<i32>} : memref<4x128xi32, #tpu.memory_space<vmem>>, vector<16xi32>,
    %add3A_78 = arith.constant 144 : i32
    %add3A_79 = vector.broadcast %add3A_78 : i32 to vector<16xi32>
    %add3A_80 = arith.addi %mul3A_7, %add3A_79 : vector<16xi32>
    %gather3A_81 = tpu.vector_load_idx %arg5[%add3A_80] : memref<1536xi32, #tpu.memory_space<vmem>>[vector<16xi32>], vector<16xi32>,
    %add3A_82 = arith.constant 145 : i32
    %add3A_83 = vector.broadcast %add3A_82 : i32 to vector<16xi32>
    %add3A_84 = arith.addi %mul3A_7, %add3A_83 : vector<16xi32>
    %gather3A_85 = tpu.vector_load_idx %arg5[%add3A_84] : memref<1536xi32, #tpu.memory_space<vmem>>[vector<16xi32>], vector<16xi32>,
    %add3A_86 = arith.constant 146 : i32
    %add3A_87 = vector.broadcast %add3A_86 : i32 to vector<16xi32>
    %add3A_88 = arith.addi %mul3A_7, %add3A_87 : vector<16xi32>
    %gather3A_89 = tpu.vector_load_idx %arg5[%add3A_88] : memref<1536xi32, #tpu.memory_space<vmem>>[vector<16xi32>], vector<16xi32>,
    %mul3A_90 = arith.constant 10000 : i32
    %mul3A_91 = vector.broadcast %mul3A_90 : i32 to vector<16xi32>
    %mul3A_92 = arith.muli %gather3A_81, %mul3A_91 : vector<16xi32>
    %mul3A_93 = arith.constant 100 : i32
    %mul3A_94 = vector.broadcast %mul3A_93 : i32 to vector<16xi32>
    %mul3A_95 = arith.muli %gather3A_85, %mul3A_94 : vector<16xi32>
    %add3A_96 = arith.addi %mul3A_92, %mul3A_95 : vector<16xi32>
    %add3A_97 = arith.addi %add3A_96, %gather3A_89 : vector<16xi32>
    %swap3A_98 = arith.constant 0 : i32
    %swap3A_99 = arith.index_cast %swap3A_98 : i32 to index
    %swap3A_100 = arith.constant 48 : index
    %swap3A_101 = tpu.vector_load %arg6[%swap3A_99, %swap3A_100] {strides = array<i32>} : memref<4x128xi32, #tpu.memory_space<vmem>>, vector<16xi32>,
    tpu.vector_store %arg6[%swap3A_99, %swap3A_100], %add3A_97 {strides = array<i32>} : memref<4x128xi32, #tpu.memory_space<vmem>>, vector<16xi32>,
    %add3A_102 = arith.constant 192 : i32
    %add3A_103 = vector.broadcast %add3A_102 : i32 to vector<16xi32>
    %add3A_104 = arith.addi %mul3A_7, %add3A_103 : vector<16xi32>
    %gather3A_105 = tpu.vector_load_idx %arg5[%add3A_104] : memref<1536xi32, #tpu.memory_space<vmem>>[vector<16xi32>], vector<16xi32>,
    %add3A_106 = arith.constant 193 : i32
    %add3A_107 = vector.broadcast %add3A_106 : i32 to vector<16xi32>
    %add3A_108 = arith.addi %mul3A_7, %add3A_107 : vector<16xi32>
    %gather3A_109 = tpu.vector_load_idx %arg5[%add3A_108] : memref<1536xi32, #tpu.memory_space<vmem>>[vector<16xi32>], vector<16xi32>,
    %add3A_110 = arith.constant 194 : i32
    %add3A_111 = vector.broadcast %add3A_110 : i32 to vector<16xi32>
    %add3A_112 = arith.addi %mul3A_7, %add3A_111 : vector<16xi32>
    %gather3A_113 = tpu.vector_load_idx %arg5[%add3A_112] : memref<1536xi32, #tpu.memory_space<vmem>>[vector<16xi32>], vector<16xi32>,
    %mul3A_114 = arith.constant 10000 : i32
    %mul3A_115 = vector.broadcast %mul3A_114 : i32 to vector<16xi32>
    %mul3A_116 = arith.muli %gather3A_105, %mul3A_115 : vector<16xi32>
    %mul3A_117 = arith.constant 100 : i32
    %mul3A_118 = vector.broadcast %mul3A_117 : i32 to vector<16xi32>
    %mul3A_119 = arith.muli %gather3A_109, %mul3A_118 : vector<16xi32>
    %add3A_120 = arith.addi %mul3A_116, %mul3A_119 : vector<16xi32>
    %add3A_121 = arith.addi %add3A_120, %gather3A_113 : vector<16xi32>
    %swap3A_122 = arith.constant 0 : i32
    %swap3A_123 = arith.index_cast %swap3A_122 : i32 to index
    %swap3A_124 = arith.constant 64 : index
    %swap3A_125 = tpu.vector_load %arg6[%swap3A_123, %swap3A_124] {strides = array<i32>} : memref<4x128xi32, #tpu.memory_space<vmem>>, vector<16xi32>,
    tpu.vector_store %arg6[%swap3A_123, %swap3A_124], %add3A_121 {strides = array<i32>} : memref<4x128xi32, #tpu.memory_space<vmem>>, vector<16xi32>,
    %add3A_126 = arith.constant 240 : i32
    %add3A_127 = vector.broadcast %add3A_126 : i32 to vector<16xi32>
    %add3A_128 = arith.addi %mul3A_7, %add3A_127 : vector<16xi32>
    %gather3A_129 = tpu.vector_load_idx %arg5[%add3A_128] : memref<1536xi32, #tpu.memory_space<vmem>>[vector<16xi32>], vector<16xi32>,
    %add3A_130 = arith.constant 241 : i32
    %add3A_131 = vector.broadcast %add3A_130 : i32 to vector<16xi32>
    %add3A_132 = arith.addi %mul3A_7, %add3A_131 : vector<16xi32>
    %gather3A_133 = tpu.vector_load_idx %arg5[%add3A_132] : memref<1536xi32, #tpu.memory_space<vmem>>[vector<16xi32>], vector<16xi32>,
    %add3A_134 = arith.constant 242 : i32
    %add3A_135 = vector.broadcast %add3A_134 : i32 to vector<16xi32>
    %add3A_136 = arith.addi %mul3A_7, %add3A_135 : vector<16xi32>
    %gather3A_137 = tpu.vector_load_idx %arg5[%add3A_136] : memref<1536xi32, #tpu.memory_space<vmem>>[vector<16xi32>], vector<16xi32>,
    %mul3A_138 = arith.constant 10000 : i32
    %mul3A_139 = vector.broadcast %mul3A_138 : i32 to vector<16xi32>
    %mul3A_140 = arith.muli %gather3A_129, %mul3A_139 : vector<16xi32>
    %mul3A_141 = arith.constant 100 : i32
    %mul3A_142 = vector.broadcast %mul3A_141 : i32 to vector<16xi32>
    %mul3A_143 = arith.muli %gather3A_133, %mul3A_142 : vector<16xi32>
    %add3A_144 = arith.addi %mul3A_140, %mul3A_143 : vector<16xi32>
    %add3A_145 = arith.addi %add3A_144, %gather3A_137 : vector<16xi32>
    %swap3A_146 = arith.constant 0 : i32
    %swap3A_147 = arith.index_cast %swap3A_146 : i32 to index
    %swap3A_148 = arith.constant 80 : index
    %swap3A_149 = tpu.vector_load %arg6[%swap3A_147, %swap3A_148] {strides = array<i32>} : memref<4x128xi32, #tpu.memory_space<vmem>>, vector<16xi32>,
    tpu.vector_store %arg6[%swap3A_147, %swap3A_148], %add3A_145 {strides = array<i32>} : memref<4x128xi32, #tpu.memory_space<vmem>>, vector<16xi32>,
    %add3A_150 = arith.constant 288 : i32
    %add3A_151 = vector.broadcast %add3A_150 : i32 to vector<16xi32>
    %add3A_152 = arith.addi %mul3A_7, %add3A_151 : vector<16xi32>
    %gather3A_153 = tpu.vector_load_idx %arg5[%add3A_152] : memref<1536xi32, #tpu.memory_space<vmem>>[vector<16xi32>], vector<16xi32>,
    %add3A_154 = arith.constant 289 : i32
    %add3A_155 = vector.broadcast %add3A_154 : i32 to vector<16xi32>
    %add3A_156 = arith.addi %mul3A_7, %add3A_155 : vector<16xi32>
    %gather3A_157 = tpu.vector_load_idx %arg5[%add3A_156] : memref<1536xi32, #tpu.memory_space<vmem>>[vector<16xi32>], vector<16xi32>,
    %add3A_158 = arith.constant 290 : i32
    %add3A_159 = vector.broadcast %add3A_158 : i32 to vector<16xi32>
    %add3A_160 = arith.addi %mul3A_7, %add3A_159 : vector<16xi32>
    %gather3A_161 = tpu.vector_load_idx %arg5[%add3A_160] : memref<1536xi32, #tpu.memory_space<vmem>>[vector<16xi32>], vector<16xi32>,
    %mul3A_162 = arith.constant 10000 : i32
    %mul3A_163 = vector.broadcast %mul3A_162 : i32 to vector<16xi32>
    %mul3A_164 = arith.muli %gather3A_153, %mul3A_163 : vector<16xi32>
    %mul3A_165 = arith.constant 100 : i32
    %mul3A_166 = vector.broadcast %mul3A_165 : i32 to vector<16xi32>
    %mul3A_167 = arith.muli %gather3A_157, %mul3A_166 : vector<16xi32>
    %add3A_168 = arith.addi %mul3A_164, %mul3A_167 : vector<16xi32>
    %add3A_169 = arith.addi %add3A_168, %gather3A_161 : vector<16xi32>
    %swap3A_170 = arith.constant 0 : i32
    %swap3A_171 = arith.index_cast %swap3A_170 : i32 to index
    %swap3A_172 = arith.constant 96 : index
    %swap3A_173 = tpu.vector_load %arg6[%swap3A_171, %swap3A_172] {strides = array<i32>} : memref<4x128xi32, #tpu.memory_space<vmem>>, vector<16xi32>,
    tpu.vector_store %arg6[%swap3A_171, %swap3A_172], %add3A_169 {strides = array<i32>} : memref<4x128xi32, #tpu.memory_space<vmem>>, vector<16xi32>,
    %add3A_174 = arith.constant 336 : i32
    %add3A_175 = vector.broadcast %add3A_174 : i32 to vector<16xi32>
    %add3A_176 = arith.addi %mul3A_7, %add3A_175 : vector<16xi32>
    %gather3A_177 = tpu.vector_load_idx %arg5[%add3A_176] : memref<1536xi32, #tpu.memory_space<vmem>>[vector<16xi32>], vector<16xi32>,
    %add3A_178 = arith.constant 337 : i32
    %add3A_179 = vector.broadcast %add3A_178 : i32 to vector<16xi32>
    %add3A_180 = arith.addi %mul3A_7, %add3A_179 : vector<16xi32>
    %gather3A_181 = tpu.vector_load_idx %arg5[%add3A_180] : memref<1536xi32, #tpu.memory_space<vmem>>[vector<16xi32>], vector<16xi32>,
    %add3A_182 = arith.constant 338 : i32
    %add3A_183 = vector.broadcast %add3A_182 : i32 to vector<16xi32>
    %add3A_184 = arith.addi %mul3A_7, %add3A_183 : vector<16xi32>
    %gather3A_185 = tpu.vector_load_idx %arg5[%add3A_184] : memref<1536xi32, #tpu.memory_space<vmem>>[vector<16xi32>], vector<16xi32>,
    %mul3A_186 = arith.constant 10000 : i32
    %mul3A_187 = vector.broadcast %mul3A_186 : i32 to vector<16xi32>
    %mul3A_188 = arith.muli %gather3A_177, %mul3A_187 : vector<16xi32>
    %mul3A_189 = arith.constant 100 : i32
    %mul3A_190 = vector.broadcast %mul3A_189 : i32 to vector<16xi32>
    %mul3A_191 = arith.muli %gather3A_181, %mul3A_190 : vector<16xi32>
    %add3A_192 = arith.addi %mul3A_188, %mul3A_191 : vector<16xi32>
    %add3A_193 = arith.addi %add3A_192, %gather3A_185 : vector<16xi32>
    %swap3A_194 = arith.constant 0 : i32
    %swap3A_195 = arith.index_cast %swap3A_194 : i32 to index
    %swap3A_196 = arith.constant 112 : index
    %swap3A_197 = tpu.vector_load %arg6[%swap3A_195, %swap3A_196] {strides = array<i32>} : memref<4x128xi32, #tpu.memory_space<vmem>>, vector<16xi32>,
    tpu.vector_store %arg6[%swap3A_195, %swap3A_196], %add3A_193 {strides = array<i32>} : memref<4x128xi32, #tpu.memory_space<vmem>>, vector<16xi32>,
    %add3A_198 = arith.constant 384 : i32
    %add3A_199 = vector.broadcast %add3A_198 : i32 to vector<16xi32>
    %add3A_200 = arith.addi %mul3A_7, %add3A_199 : vector<16xi32>
    %gather3A_201 = tpu.vector_load_idx %arg5[%add3A_200] : memref<1536xi32, #tpu.memory_space<vmem>>[vector<16xi32>], vector<16xi32>,
    %add3A_202 = arith.constant 385 : i32
    %add3A_203 = vector.broadcast %add3A_202 : i32 to vector<16xi32>
    %add3A_204 = arith.addi %mul3A_7, %add3A_203 : vector<16xi32>
    %gather3A_205 = tpu.vector_load_idx %arg5[%add3A_204] : memref<1536xi32, #tpu.memory_space<vmem>>[vector<16xi32>], vector<16xi32>,
    %add3A_206 = arith.constant 386 : i32
    %add3A_207 = vector.broadcast %add3A_206 : i32 to vector<16xi32>
    %add3A_208 = arith.addi %mul3A_7, %add3A_207 : vector<16xi32>
    %gather3A_209 = tpu.vector_load_idx %arg5[%add3A_208] : memref<1536xi32, #tpu.memory_space<vmem>>[vector<16xi32>], vector<16xi32>,
    %mul3A_210 = arith.constant 10000 : i32
    %mul3A_211 = vector.broadcast %mul3A_210 : i32 to vector<16xi32>
    %mul3A_212 = arith.muli %gather3A_201, %mul3A_211 : vector<16xi32>
    %mul3A_213 = arith.constant 100 : i32
    %mul3A_214 = vector.broadcast %mul3A_213 : i32 to vector<16xi32>
    %mul3A_215 = arith.muli %gather3A_205, %mul3A_214 : vector<16xi32>
    %add3A_216 = arith.addi %mul3A_212, %mul3A_215 : vector<16xi32>
    %add3A_217 = arith.addi %add3A_216, %gather3A_209 : vector<16xi32>
    %swap3A_218 = arith.constant 1 : i32
    %swap3A_219 = arith.index_cast %swap3A_218 : i32 to index
    %swap3A_220 = arith.constant 0 : index
    %swap3A_221 = tpu.vector_load %arg6[%swap3A_219, %swap3A_220] {strides = array<i32>} : memref<4x128xi32, #tpu.memory_space<vmem>>, vector<16xi32>,
    tpu.vector_store %arg6[%swap3A_219, %swap3A_220], %add3A_217 {strides = array<i32>} : memref<4x128xi32, #tpu.memory_space<vmem>>, vector<16xi32>,
    %add3A_222 = arith.constant 432 : i32
    %add3A_223 = vector.broadcast %add3A_222 : i32 to vector<16xi32>
    %add3A_224 = arith.addi %mul3A_7, %add3A_223 : vector<16xi32>
    %gather3A_225 = tpu.vector_load_idx %arg5[%add3A_224] : memref<1536xi32, #tpu.memory_space<vmem>>[vector<16xi32>], vector<16xi32>,
    %add3A_226 = arith.constant 433 : i32
    %add3A_227 = vector.broadcast %add3A_226 : i32 to vector<16xi32>
    %add3A_228 = arith.addi %mul3A_7, %add3A_227 : vector<16xi32>
    %gather3A_229 = tpu.vector_load_idx %arg5[%add3A_228] : memref<1536xi32, #tpu.memory_space<vmem>>[vector<16xi32>], vector<16xi32>,
    %add3A_230 = arith.constant 434 : i32
    %add3A_231 = vector.broadcast %add3A_230 : i32 to vector<16xi32>
    %add3A_232 = arith.addi %mul3A_7, %add3A_231 : vector<16xi32>
    %gather3A_233 = tpu.vector_load_idx %arg5[%add3A_232] : memref<1536xi32, #tpu.memory_space<vmem>>[vector<16xi32>], vector<16xi32>,
    %mul3A_234 = arith.constant 10000 : i32
    %mul3A_235 = vector.broadcast %mul3A_234 : i32 to vector<16xi32>
    %mul3A_236 = arith.muli %gather3A_225, %mul3A_235 : vector<16xi32>
    %mul3A_237 = arith.constant 100 : i32
    %mul3A_238 = vector.broadcast %mul3A_237 : i32 to vector<16xi32>
    %mul3A_239 = arith.muli %gather3A_229, %mul3A_238 : vector<16xi32>
    %add3A_240 = arith.addi %mul3A_236, %mul3A_239 : vector<16xi32>
    %add3A_241 = arith.addi %add3A_240, %gather3A_233 : vector<16xi32>
    %swap3A_242 = arith.constant 1 : i32
    %swap3A_243 = arith.index_cast %swap3A_242 : i32 to index
    %swap3A_244 = arith.constant 16 : index
    %swap3A_245 = tpu.vector_load %arg6[%swap3A_243, %swap3A_244] {strides = array<i32>} : memref<4x128xi32, #tpu.memory_space<vmem>>, vector<16xi32>,
    tpu.vector_store %arg6[%swap3A_243, %swap3A_244], %add3A_241 {strides = array<i32>} : memref<4x128xi32, #tpu.memory_space<vmem>>, vector<16xi32>,
    %add3A_246 = arith.constant 480 : i32
    %add3A_247 = vector.broadcast %add3A_246 : i32 to vector<16xi32>
    %add3A_248 = arith.addi %mul3A_7, %add3A_247 : vector<16xi32>
    %gather3A_249 = tpu.vector_load_idx %arg5[%add3A_248] : memref<1536xi32, #tpu.memory_space<vmem>>[vector<16xi32>], vector<16xi32>,
    %add3A_250 = arith.constant 481 : i32
    %add3A_251 = vector.broadcast %add3A_250 : i32 to vector<16xi32>
    %add3A_252 = arith.addi %mul3A_7, %add3A_251 : vector<16xi32>
    %gather3A_253 = tpu.vector_load_idx %arg5[%add3A_252] : memref<1536xi32, #tpu.memory_space<vmem>>[vector<16xi32>], vector<16xi32>,
    %add3A_254 = arith.constant 482 : i32
    %add3A_255 = vector.broadcast %add3A_254 : i32 to vector<16xi32>
    %add3A_256 = arith.addi %mul3A_7, %add3A_255 : vector<16xi32>
    %gather3A_257 = tpu.vector_load_idx %arg5[%add3A_256] : memref<1536xi32, #tpu.memory_space<vmem>>[vector<16xi32>], vector<16xi32>,
    %mul3A_258 = arith.constant 10000 : i32
    %mul3A_259 = vector.broadcast %mul3A_258 : i32 to vector<16xi32>
    %mul3A_260 = arith.muli %gather3A_249, %mul3A_259 : vector<16xi32>
    %mul3A_261 = arith.constant 100 : i32
    %mul3A_262 = vector.broadcast %mul3A_261 : i32 to vector<16xi32>
    %mul3A_263 = arith.muli %gather3A_253, %mul3A_262 : vector<16xi32>
    %add3A_264 = arith.addi %mul3A_260, %mul3A_263 : vector<16xi32>
    %add3A_265 = arith.addi %add3A_264, %gather3A_257 : vector<16xi32>
    %swap3A_266 = arith.constant 1 : i32
    %swap3A_267 = arith.index_cast %swap3A_266 : i32 to index
    %swap3A_268 = arith.constant 32 : index
    %swap3A_269 = tpu.vector_load %arg6[%swap3A_267, %swap3A_268] {strides = array<i32>} : memref<4x128xi32, #tpu.memory_space<vmem>>, vector<16xi32>,
    tpu.vector_store %arg6[%swap3A_267, %swap3A_268], %add3A_265 {strides = array<i32>} : memref<4x128xi32, #tpu.memory_space<vmem>>, vector<16xi32>,
    %add3A_270 = arith.constant 528 : i32
    %add3A_271 = vector.broadcast %add3A_270 : i32 to vector<16xi32>
    %add3A_272 = arith.addi %mul3A_7, %add3A_271 : vector<16xi32>
    %gather3A_273 = tpu.vector_load_idx %arg5[%add3A_272] : memref<1536xi32, #tpu.memory_space<vmem>>[vector<16xi32>], vector<16xi32>,
    %add3A_274 = arith.constant 529 : i32
    %add3A_275 = vector.broadcast %add3A_274 : i32 to vector<16xi32>
    %add3A_276 = arith.addi %mul3A_7, %add3A_275 : vector<16xi32>
    %gather3A_277 = tpu.vector_load_idx %arg5[%add3A_276] : memref<1536xi32, #tpu.memory_space<vmem>>[vector<16xi32>], vector<16xi32>,
    %add3A_278 = arith.constant 530 : i32
    %add3A_279 = vector.broadcast %add3A_278 : i32 to vector<16xi32>
    %add3A_280 = arith.addi %mul3A_7, %add3A_279 : vector<16xi32>
    %gather3A_281 = tpu.vector_load_idx %arg5[%add3A_280] : memref<1536xi32, #tpu.memory_space<vmem>>[vector<16xi32>], vector<16xi32>,
    %mul3A_282 = arith.constant 10000 : i32
    %mul3A_283 = vector.broadcast %mul3A_282 : i32 to vector<16xi32>
    %mul3A_284 = arith.muli %gather3A_273, %mul3A_283 : vector<16xi32>
    %mul3A_285 = arith.constant 100 : i32
    %mul3A_286 = vector.broadcast %mul3A_285 : i32 to vector<16xi32>
    %mul3A_287 = arith.muli %gather3A_277, %mul3A_286 : vector<16xi32>
    %add3A_288 = arith.addi %mul3A_284, %mul3A_287 : vector<16xi32>
    %add3A_289 = arith.addi %add3A_288, %gather3A_281 : vector<16xi32>
    %swap3A_290 = arith.constant 1 : i32
    %swap3A_291 = arith.index_cast %swap3A_290 : i32 to index
    %swap3A_292 = arith.constant 48 : index
    %swap3A_293 = tpu.vector_load %arg6[%swap3A_291, %swap3A_292] {strides = array<i32>} : memref<4x128xi32, #tpu.memory_space<vmem>>, vector<16xi32>,
    tpu.vector_store %arg6[%swap3A_291, %swap3A_292], %add3A_289 {strides = array<i32>} : memref<4x128xi32, #tpu.memory_space<vmem>>, vector<16xi32>,
    %add3A_294 = arith.constant 576 : i32
    %add3A_295 = vector.broadcast %add3A_294 : i32 to vector<16xi32>
    %add3A_296 = arith.addi %mul3A_7, %add3A_295 : vector<16xi32>
    %gather3A_297 = tpu.vector_load_idx %arg5[%add3A_296] : memref<1536xi32, #tpu.memory_space<vmem>>[vector<16xi32>], vector<16xi32>,
    %add3A_298 = arith.constant 577 : i32
    %add3A_299 = vector.broadcast %add3A_298 : i32 to vector<16xi32>
    %add3A_300 = arith.addi %mul3A_7, %add3A_299 : vector<16xi32>
    %gather3A_301 = tpu.vector_load_idx %arg5[%add3A_300] : memref<1536xi32, #tpu.memory_space<vmem>>[vector<16xi32>], vector<16xi32>,
    %add3A_302 = arith.constant 578 : i32
    %add3A_303 = vector.broadcast %add3A_302 : i32 to vector<16xi32>
    %add3A_304 = arith.addi %mul3A_7, %add3A_303 : vector<16xi32>
    %gather3A_305 = tpu.vector_load_idx %arg5[%add3A_304] : memref<1536xi32, #tpu.memory_space<vmem>>[vector<16xi32>], vector<16xi32>,
    %mul3A_306 = arith.constant 10000 : i32
    %mul3A_307 = vector.broadcast %mul3A_306 : i32 to vector<16xi32>
    %mul3A_308 = arith.muli %gather3A_297, %mul3A_307 : vector<16xi32>
    %mul3A_309 = arith.constant 100 : i32
    %mul3A_310 = vector.broadcast %mul3A_309 : i32 to vector<16xi32>
    %mul3A_311 = arith.muli %gather3A_301, %mul3A_310 : vector<16xi32>
    %add3A_312 = arith.addi %mul3A_308, %mul3A_311 : vector<16xi32>
    %add3A_313 = arith.addi %add3A_312, %gather3A_305 : vector<16xi32>
    %swap3A_314 = arith.constant 1 : i32
    %swap3A_315 = arith.index_cast %swap3A_314 : i32 to index
    %swap3A_316 = arith.constant 64 : index
    %swap3A_317 = tpu.vector_load %arg6[%swap3A_315, %swap3A_316] {strides = array<i32>} : memref<4x128xi32, #tpu.memory_space<vmem>>, vector<16xi32>,
    tpu.vector_store %arg6[%swap3A_315, %swap3A_316], %add3A_313 {strides = array<i32>} : memref<4x128xi32, #tpu.memory_space<vmem>>, vector<16xi32>,
    %add3A_318 = arith.constant 624 : i32
    %add3A_319 = vector.broadcast %add3A_318 : i32 to vector<16xi32>
    %add3A_320 = arith.addi %mul3A_7, %add3A_319 : vector<16xi32>
    %gather3A_321 = tpu.vector_load_idx %arg5[%add3A_320] : memref<1536xi32, #tpu.memory_space<vmem>>[vector<16xi32>], vector<16xi32>,
    %add3A_322 = arith.constant 625 : i32
    %add3A_323 = vector.broadcast %add3A_322 : i32 to vector<16xi32>
    %add3A_324 = arith.addi %mul3A_7, %add3A_323 : vector<16xi32>
    %gather3A_325 = tpu.vector_load_idx %arg5[%add3A_324] : memref<1536xi32, #tpu.memory_space<vmem>>[vector<16xi32>], vector<16xi32>,
    %add3A_326 = arith.constant 626 : i32
    %add3A_327 = vector.broadcast %add3A_326 : i32 to vector<16xi32>
    %add3A_328 = arith.addi %mul3A_7, %add3A_327 : vector<16xi32>
    %gather3A_329 = tpu.vector_load_idx %arg5[%add3A_328] : memref<1536xi32, #tpu.memory_space<vmem>>[vector<16xi32>], vector<16xi32>,
    %mul3A_330 = arith.constant 10000 : i32
    %mul3A_331 = vector.broadcast %mul3A_330 : i32 to vector<16xi32>
    %mul3A_332 = arith.muli %gather3A_321, %mul3A_331 : vector<16xi32>
    %mul3A_333 = arith.constant 100 : i32
    %mul3A_334 = vector.broadcast %mul3A_333 : i32 to vector<16xi32>
    %mul3A_335 = arith.muli %gather3A_325, %mul3A_334 : vector<16xi32>
    %add3A_336 = arith.addi %mul3A_332, %mul3A_335 : vector<16xi32>
    %add3A_337 = arith.addi %add3A_336, %gather3A_329 : vector<16xi32>
    %swap3A_338 = arith.constant 1 : i32
    %swap3A_339 = arith.index_cast %swap3A_338 : i32 to index
    %swap3A_340 = arith.constant 80 : index
    %swap3A_341 = tpu.vector_load %arg6[%swap3A_339, %swap3A_340] {strides = array<i32>} : memref<4x128xi32, #tpu.memory_space<vmem>>, vector<16xi32>,
    tpu.vector_store %arg6[%swap3A_339, %swap3A_340], %add3A_337 {strides = array<i32>} : memref<4x128xi32, #tpu.memory_space<vmem>>, vector<16xi32>,
    %add3A_342 = arith.constant 672 : i32
    %add3A_343 = vector.broadcast %add3A_342 : i32 to vector<16xi32>
    %add3A_344 = arith.addi %mul3A_7, %add3A_343 : vector<16xi32>
    %gather3A_345 = tpu.vector_load_idx %arg5[%add3A_344] : memref<1536xi32, #tpu.memory_space<vmem>>[vector<16xi32>], vector<16xi32>,
    %add3A_346 = arith.constant 673 : i32
    %add3A_347 = vector.broadcast %add3A_346 : i32 to vector<16xi32>
    %add3A_348 = arith.addi %mul3A_7, %add3A_347 : vector<16xi32>
    %gather3A_349 = tpu.vector_load_idx %arg5[%add3A_348] : memref<1536xi32, #tpu.memory_space<vmem>>[vector<16xi32>], vector<16xi32>,
    %add3A_350 = arith.constant 674 : i32
    %add3A_351 = vector.broadcast %add3A_350 : i32 to vector<16xi32>
    %add3A_352 = arith.addi %mul3A_7, %add3A_351 : vector<16xi32>
    %gather3A_353 = tpu.vector_load_idx %arg5[%add3A_352] : memref<1536xi32, #tpu.memory_space<vmem>>[vector<16xi32>], vector<16xi32>,
    %mul3A_354 = arith.constant 10000 : i32
    %mul3A_355 = vector.broadcast %mul3A_354 : i32 to vector<16xi32>
    %mul3A_356 = arith.muli %gather3A_345, %mul3A_355 : vector<16xi32>
    %mul3A_357 = arith.constant 100 : i32
    %mul3A_358 = vector.broadcast %mul3A_357 : i32 to vector<16xi32>
    %mul3A_359 = arith.muli %gather3A_349, %mul3A_358 : vector<16xi32>
    %add3A_360 = arith.addi %mul3A_356, %mul3A_359 : vector<16xi32>
    %add3A_361 = arith.addi %add3A_360, %gather3A_353 : vector<16xi32>
    %swap3A_362 = arith.constant 1 : i32
    %swap3A_363 = arith.index_cast %swap3A_362 : i32 to index
    %swap3A_364 = arith.constant 96 : index
    %swap3A_365 = tpu.vector_load %arg6[%swap3A_363, %swap3A_364] {strides = array<i32>} : memref<4x128xi32, #tpu.memory_space<vmem>>, vector<16xi32>,
    tpu.vector_store %arg6[%swap3A_363, %swap3A_364], %add3A_361 {strides = array<i32>} : memref<4x128xi32, #tpu.memory_space<vmem>>, vector<16xi32>,
    %add3A_366 = arith.constant 720 : i32
    %add3A_367 = vector.broadcast %add3A_366 : i32 to vector<16xi32>
    %add3A_368 = arith.addi %mul3A_7, %add3A_367 : vector<16xi32>
    %gather3A_369 = tpu.vector_load_idx %arg5[%add3A_368] : memref<1536xi32, #tpu.memory_space<vmem>>[vector<16xi32>], vector<16xi32>,
    %add3A_370 = arith.constant 721 : i32
    %add3A_371 = vector.broadcast %add3A_370 : i32 to vector<16xi32>
    %add3A_372 = arith.addi %mul3A_7, %add3A_371 : vector<16xi32>
    %gather3A_373 = tpu.vector_load_idx %arg5[%add3A_372] : memref<1536xi32, #tpu.memory_space<vmem>>[vector<16xi32>], vector<16xi32>,
    %add3A_374 = arith.constant 722 : i32
    %add3A_375 = vector.broadcast %add3A_374 : i32 to vector<16xi32>
    %add3A_376 = arith.addi %mul3A_7, %add3A_375 : vector<16xi32>
    %gather3A_377 = tpu.vector_load_idx %arg5[%add3A_376] : memref<1536xi32, #tpu.memory_space<vmem>>[vector<16xi32>], vector<16xi32>,
    %mul3A_378 = arith.constant 10000 : i32
    %mul3A_379 = vector.broadcast %mul3A_378 : i32 to vector<16xi32>
    %mul3A_380 = arith.muli %gather3A_369, %mul3A_379 : vector<16xi32>
    %mul3A_381 = arith.constant 100 : i32
    %mul3A_382 = vector.broadcast %mul3A_381 : i32 to vector<16xi32>
    %mul3A_383 = arith.muli %gather3A_373, %mul3A_382 : vector<16xi32>
    %add3A_384 = arith.addi %mul3A_380, %mul3A_383 : vector<16xi32>
    %add3A_385 = arith.addi %add3A_384, %gather3A_377 : vector<16xi32>
    %swap3A_386 = arith.constant 1 : i32
    %swap3A_387 = arith.index_cast %swap3A_386 : i32 to index
    %swap3A_388 = arith.constant 112 : index
    %swap3A_389 = tpu.vector_load %arg6[%swap3A_387, %swap3A_388] {strides = array<i32>} : memref<4x128xi32, #tpu.memory_space<vmem>>, vector<16xi32>,
    tpu.vector_store %arg6[%swap3A_387, %swap3A_388], %add3A_385 {strides = array<i32>} : memref<4x128xi32, #tpu.memory_space<vmem>>, vector<16xi32>,
    %add3A_390 = arith.constant 768 : i32
    %add3A_391 = vector.broadcast %add3A_390 : i32 to vector<16xi32>
    %add3A_392 = arith.addi %mul3A_7, %add3A_391 : vector<16xi32>
    %gather3A_393 = tpu.vector_load_idx %arg5[%add3A_392] : memref<1536xi32, #tpu.memory_space<vmem>>[vector<16xi32>], vector<16xi32>,
    %add3A_394 = arith.constant 769 : i32
    %add3A_395 = vector.broadcast %add3A_394 : i32 to vector<16xi32>
    %add3A_396 = arith.addi %mul3A_7, %add3A_395 : vector<16xi32>
    %gather3A_397 = tpu.vector_load_idx %arg5[%add3A_396] : memref<1536xi32, #tpu.memory_space<vmem>>[vector<16xi32>], vector<16xi32>,
    %add3A_398 = arith.constant 770 : i32
    %add3A_399 = vector.broadcast %add3A_398 : i32 to vector<16xi32>
    %add3A_400 = arith.addi %mul3A_7, %add3A_399 : vector<16xi32>
    %gather3A_401 = tpu.vector_load_idx %arg5[%add3A_400] : memref<1536xi32, #tpu.memory_space<vmem>>[vector<16xi32>], vector<16xi32>,
    %mul3A_402 = arith.constant 10000 : i32
    %mul3A_403 = vector.broadcast %mul3A_402 : i32 to vector<16xi32>
    %mul3A_404 = arith.muli %gather3A_393, %mul3A_403 : vector<16xi32>
    %mul3A_405 = arith.constant 100 : i32
    %mul3A_406 = vector.broadcast %mul3A_405 : i32 to vector<16xi32>
    %mul3A_407 = arith.muli %gather3A_397, %mul3A_406 : vector<16xi32>
    %add3A_408 = arith.addi %mul3A_404, %mul3A_407 : vector<16xi32>
    %add3A_409 = arith.addi %add3A_408, %gather3A_401 : vector<16xi32>
    %swap3A_410 = arith.constant 2 : i32
    %swap3A_411 = arith.index_cast %swap3A_410 : i32 to index
    %swap3A_412 = arith.constant 0 : index
    %swap3A_413 = tpu.vector_load %arg6[%swap3A_411, %swap3A_412] {strides = array<i32>} : memref<4x128xi32, #tpu.memory_space<vmem>>, vector<16xi32>,
    tpu.vector_store %arg6[%swap3A_411, %swap3A_412], %add3A_409 {strides = array<i32>} : memref<4x128xi32, #tpu.memory_space<vmem>>, vector<16xi32>,
    %add3A_414 = arith.constant 816 : i32
    %add3A_415 = vector.broadcast %add3A_414 : i32 to vector<16xi32>
    %add3A_416 = arith.addi %mul3A_7, %add3A_415 : vector<16xi32>
    %gather3A_417 = tpu.vector_load_idx %arg5[%add3A_416] : memref<1536xi32, #tpu.memory_space<vmem>>[vector<16xi32>], vector<16xi32>,
    %add3A_418 = arith.constant 817 : i32
    %add3A_419 = vector.broadcast %add3A_418 : i32 to vector<16xi32>
    %add3A_420 = arith.addi %mul3A_7, %add3A_419 : vector<16xi32>
    %gather3A_421 = tpu.vector_load_idx %arg5[%add3A_420] : memref<1536xi32, #tpu.memory_space<vmem>>[vector<16xi32>], vector<16xi32>,
    %add3A_422 = arith.constant 818 : i32
    %add3A_423 = vector.broadcast %add3A_422 : i32 to vector<16xi32>
    %add3A_424 = arith.addi %mul3A_7, %add3A_423 : vector<16xi32>
    %gather3A_425 = tpu.vector_load_idx %arg5[%add3A_424] : memref<1536xi32, #tpu.memory_space<vmem>>[vector<16xi32>], vector<16xi32>,
    %mul3A_426 = arith.constant 10000 : i32
    %mul3A_427 = vector.broadcast %mul3A_426 : i32 to vector<16xi32>
    %mul3A_428 = arith.muli %gather3A_417, %mul3A_427 : vector<16xi32>
    %mul3A_429 = arith.constant 100 : i32
    %mul3A_430 = vector.broadcast %mul3A_429 : i32 to vector<16xi32>
    %mul3A_431 = arith.muli %gather3A_421, %mul3A_430 : vector<16xi32>
    %add3A_432 = arith.addi %mul3A_428, %mul3A_431 : vector<16xi32>
    %add3A_433 = arith.addi %add3A_432, %gather3A_425 : vector<16xi32>
    %swap3A_434 = arith.constant 2 : i32
    %swap3A_435 = arith.index_cast %swap3A_434 : i32 to index
    %swap3A_436 = arith.constant 16 : index
    %swap3A_437 = tpu.vector_load %arg6[%swap3A_435, %swap3A_436] {strides = array<i32>} : memref<4x128xi32, #tpu.memory_space<vmem>>, vector<16xi32>,
    tpu.vector_store %arg6[%swap3A_435, %swap3A_436], %add3A_433 {strides = array<i32>} : memref<4x128xi32, #tpu.memory_space<vmem>>, vector<16xi32>,
    %add3A_438 = arith.constant 864 : i32
    %add3A_439 = vector.broadcast %add3A_438 : i32 to vector<16xi32>
    %add3A_440 = arith.addi %mul3A_7, %add3A_439 : vector<16xi32>
    %gather3A_441 = tpu.vector_load_idx %arg5[%add3A_440] : memref<1536xi32, #tpu.memory_space<vmem>>[vector<16xi32>], vector<16xi32>,
    %add3A_442 = arith.constant 865 : i32
    %add3A_443 = vector.broadcast %add3A_442 : i32 to vector<16xi32>
    %add3A_444 = arith.addi %mul3A_7, %add3A_443 : vector<16xi32>
    %gather3A_445 = tpu.vector_load_idx %arg5[%add3A_444] : memref<1536xi32, #tpu.memory_space<vmem>>[vector<16xi32>], vector<16xi32>,
    %add3A_446 = arith.constant 866 : i32
    %add3A_447 = vector.broadcast %add3A_446 : i32 to vector<16xi32>
    %add3A_448 = arith.addi %mul3A_7, %add3A_447 : vector<16xi32>
    %gather3A_449 = tpu.vector_load_idx %arg5[%add3A_448] : memref<1536xi32, #tpu.memory_space<vmem>>[vector<16xi32>], vector<16xi32>,
    %mul3A_450 = arith.constant 10000 : i32
    %mul3A_451 = vector.broadcast %mul3A_450 : i32 to vector<16xi32>
    %mul3A_452 = arith.muli %gather3A_441, %mul3A_451 : vector<16xi32>
    %mul3A_453 = arith.constant 100 : i32
    %mul3A_454 = vector.broadcast %mul3A_453 : i32 to vector<16xi32>
    %mul3A_455 = arith.muli %gather3A_445, %mul3A_454 : vector<16xi32>
    %add3A_456 = arith.addi %mul3A_452, %mul3A_455 : vector<16xi32>
    %add3A_457 = arith.addi %add3A_456, %gather3A_449 : vector<16xi32>
    %swap3A_458 = arith.constant 2 : i32
    %swap3A_459 = arith.index_cast %swap3A_458 : i32 to index
    %swap3A_460 = arith.constant 32 : index
    %swap3A_461 = tpu.vector_load %arg6[%swap3A_459, %swap3A_460] {strides = array<i32>} : memref<4x128xi32, #tpu.memory_space<vmem>>, vector<16xi32>,
    tpu.vector_store %arg6[%swap3A_459, %swap3A_460], %add3A_457 {strides = array<i32>} : memref<4x128xi32, #tpu.memory_space<vmem>>, vector<16xi32>,
    %add3A_462 = arith.constant 912 : i32
    %add3A_463 = vector.broadcast %add3A_462 : i32 to vector<16xi32>
    %add3A_464 = arith.addi %mul3A_7, %add3A_463 : vector<16xi32>
    %gather3A_465 = tpu.vector_load_idx %arg5[%add3A_464] : memref<1536xi32, #tpu.memory_space<vmem>>[vector<16xi32>], vector<16xi32>,
    %add3A_466 = arith.constant 913 : i32
    %add3A_467 = vector.broadcast %add3A_466 : i32 to vector<16xi32>
    %add3A_468 = arith.addi %mul3A_7, %add3A_467 : vector<16xi32>
    %gather3A_469 = tpu.vector_load_idx %arg5[%add3A_468] : memref<1536xi32, #tpu.memory_space<vmem>>[vector<16xi32>], vector<16xi32>,
    %add3A_470 = arith.constant 914 : i32
    %add3A_471 = vector.broadcast %add3A_470 : i32 to vector<16xi32>
    %add3A_472 = arith.addi %mul3A_7, %add3A_471 : vector<16xi32>
    %gather3A_473 = tpu.vector_load_idx %arg5[%add3A_472] : memref<1536xi32, #tpu.memory_space<vmem>>[vector<16xi32>], vector<16xi32>,
    %mul3A_474 = arith.constant 10000 : i32
    %mul3A_475 = vector.broadcast %mul3A_474 : i32 to vector<16xi32>
    %mul3A_476 = arith.muli %gather3A_465, %mul3A_475 : vector<16xi32>
    %mul3A_477 = arith.constant 100 : i32
    %mul3A_478 = vector.broadcast %mul3A_477 : i32 to vector<16xi32>
    %mul3A_479 = arith.muli %gather3A_469, %mul3A_478 : vector<16xi32>
    %add3A_480 = arith.addi %mul3A_476, %mul3A_479 : vector<16xi32>
    %add3A_481 = arith.addi %add3A_480, %gather3A_473 : vector<16xi32>
    %swap3A_482 = arith.constant 2 : i32
    %swap3A_483 = arith.index_cast %swap3A_482 : i32 to index
    %swap3A_484 = arith.constant 48 : index
    %swap3A_485 = tpu.vector_load %arg6[%swap3A_483, %swap3A_484] {strides = array<i32>} : memref<4x128xi32, #tpu.memory_space<vmem>>, vector<16xi32>,
    tpu.vector_store %arg6[%swap3A_483, %swap3A_484], %add3A_481 {strides = array<i32>} : memref<4x128xi32, #tpu.memory_space<vmem>>, vector<16xi32>,
    %add3A_486 = arith.constant 960 : i32
    %add3A_487 = vector.broadcast %add3A_486 : i32 to vector<16xi32>
    %add3A_488 = arith.addi %mul3A_7, %add3A_487 : vector<16xi32>
    %gather3A_489 = tpu.vector_load_idx %arg5[%add3A_488] : memref<1536xi32, #tpu.memory_space<vmem>>[vector<16xi32>], vector<16xi32>,
    %add3A_490 = arith.constant 961 : i32
    %add3A_491 = vector.broadcast %add3A_490 : i32 to vector<16xi32>
    %add3A_492 = arith.addi %mul3A_7, %add3A_491 : vector<16xi32>
    %gather3A_493 = tpu.vector_load_idx %arg5[%add3A_492] : memref<1536xi32, #tpu.memory_space<vmem>>[vector<16xi32>], vector<16xi32>,
    %add3A_494 = arith.constant 962 : i32
    %add3A_495 = vector.broadcast %add3A_494 : i32 to vector<16xi32>
    %add3A_496 = arith.addi %mul3A_7, %add3A_495 : vector<16xi32>
    %gather3A_497 = tpu.vector_load_idx %arg5[%add3A_496] : memref<1536xi32, #tpu.memory_space<vmem>>[vector<16xi32>], vector<16xi32>,
    %mul3A_498 = arith.constant 10000 : i32
    %mul3A_499 = vector.broadcast %mul3A_498 : i32 to vector<16xi32>
    %mul3A_500 = arith.muli %gather3A_489, %mul3A_499 : vector<16xi32>
    %mul3A_501 = arith.constant 100 : i32
    %mul3A_502 = vector.broadcast %mul3A_501 : i32 to vector<16xi32>
    %mul3A_503 = arith.muli %gather3A_493, %mul3A_502 : vector<16xi32>
    %add3A_504 = arith.addi %mul3A_500, %mul3A_503 : vector<16xi32>
    %add3A_505 = arith.addi %add3A_504, %gather3A_497 : vector<16xi32>
    %swap3A_506 = arith.constant 2 : i32
    %swap3A_507 = arith.index_cast %swap3A_506 : i32 to index
    %swap3A_508 = arith.constant 64 : index
    %swap3A_509 = tpu.vector_load %arg6[%swap3A_507, %swap3A_508] {strides = array<i32>} : memref<4x128xi32, #tpu.memory_space<vmem>>, vector<16xi32>,
    tpu.vector_store %arg6[%swap3A_507, %swap3A_508], %add3A_505 {strides = array<i32>} : memref<4x128xi32, #tpu.memory_space<vmem>>, vector<16xi32>,
    %add3A_510 = arith.constant 1008 : i32
    %add3A_511 = vector.broadcast %add3A_510 : i32 to vector<16xi32>
    %add3A_512 = arith.addi %mul3A_7, %add3A_511 : vector<16xi32>
    %gather3A_513 = tpu.vector_load_idx %arg5[%add3A_512] : memref<1536xi32, #tpu.memory_space<vmem>>[vector<16xi32>], vector<16xi32>,
    %add3A_514 = arith.constant 1009 : i32
    %add3A_515 = vector.broadcast %add3A_514 : i32 to vector<16xi32>
    %add3A_516 = arith.addi %mul3A_7, %add3A_515 : vector<16xi32>
    %gather3A_517 = tpu.vector_load_idx %arg5[%add3A_516] : memref<1536xi32, #tpu.memory_space<vmem>>[vector<16xi32>], vector<16xi32>,
    %add3A_518 = arith.constant 1010 : i32
    %add3A_519 = vector.broadcast %add3A_518 : i32 to vector<16xi32>
    %add3A_520 = arith.addi %mul3A_7, %add3A_519 : vector<16xi32>
    %gather3A_521 = tpu.vector_load_idx %arg5[%add3A_520] : memref<1536xi32, #tpu.memory_space<vmem>>[vector<16xi32>], vector<16xi32>,
    %mul3A_522 = arith.constant 10000 : i32
    %mul3A_523 = vector.broadcast %mul3A_522 : i32 to vector<16xi32>
    %mul3A_524 = arith.muli %gather3A_513, %mul3A_523 : vector<16xi32>
    %mul3A_525 = arith.constant 100 : i32
    %mul3A_526 = vector.broadcast %mul3A_525 : i32 to vector<16xi32>
    %mul3A_527 = arith.muli %gather3A_517, %mul3A_526 : vector<16xi32>
    %add3A_528 = arith.addi %mul3A_524, %mul3A_527 : vector<16xi32>
    %add3A_529 = arith.addi %add3A_528, %gather3A_521 : vector<16xi32>
    %swap3A_530 = arith.constant 2 : i32
    %swap3A_531 = arith.index_cast %swap3A_530 : i32 to index
    %swap3A_532 = arith.constant 80 : index
    %swap3A_533 = tpu.vector_load %arg6[%swap3A_531, %swap3A_532] {strides = array<i32>} : memref<4x128xi32, #tpu.memory_space<vmem>>, vector<16xi32>,
    tpu.vector_store %arg6[%swap3A_531, %swap3A_532], %add3A_529 {strides = array<i32>} : memref<4x128xi32, #tpu.memory_space<vmem>>, vector<16xi32>,
    %add3A_534 = arith.constant 1056 : i32
    %add3A_535 = vector.broadcast %add3A_534 : i32 to vector<16xi32>
    %add3A_536 = arith.addi %mul3A_7, %add3A_535 : vector<16xi32>
    %gather3A_537 = tpu.vector_load_idx %arg5[%add3A_536] : memref<1536xi32, #tpu.memory_space<vmem>>[vector<16xi32>], vector<16xi32>,
    %add3A_538 = arith.constant 1057 : i32
    %add3A_539 = vector.broadcast %add3A_538 : i32 to vector<16xi32>
    %add3A_540 = arith.addi %mul3A_7, %add3A_539 : vector<16xi32>
    %gather3A_541 = tpu.vector_load_idx %arg5[%add3A_540] : memref<1536xi32, #tpu.memory_space<vmem>>[vector<16xi32>], vector<16xi32>,
    %add3A_542 = arith.constant 1058 : i32
    %add3A_543 = vector.broadcast %add3A_542 : i32 to vector<16xi32>
    %add3A_544 = arith.addi %mul3A_7, %add3A_543 : vector<16xi32>
    %gather3A_545 = tpu.vector_load_idx %arg5[%add3A_544] : memref<1536xi32, #tpu.memory_space<vmem>>[vector<16xi32>], vector<16xi32>,
    %mul3A_546 = arith.constant 10000 : i32
    %mul3A_547 = vector.broadcast %mul3A_546 : i32 to vector<16xi32>
    %mul3A_548 = arith.muli %gather3A_537, %mul3A_547 : vector<16xi32>
    %mul3A_549 = arith.constant 100 : i32
    %mul3A_550 = vector.broadcast %mul3A_549 : i32 to vector<16xi32>
    %mul3A_551 = arith.muli %gather3A_541, %mul3A_550 : vector<16xi32>
    %add3A_552 = arith.addi %mul3A_548, %mul3A_551 : vector<16xi32>
    %add3A_553 = arith.addi %add3A_552, %gather3A_545 : vector<16xi32>
    %swap3A_554 = arith.constant 2 : i32
    %swap3A_555 = arith.index_cast %swap3A_554 : i32 to index
    %swap3A_556 = arith.constant 96 : index
    %swap3A_557 = tpu.vector_load %arg6[%swap3A_555, %swap3A_556] {strides = array<i32>} : memref<4x128xi32, #tpu.memory_space<vmem>>, vector<16xi32>,
    tpu.vector_store %arg6[%swap3A_555, %swap3A_556], %add3A_553 {strides = array<i32>} : memref<4x128xi32, #tpu.memory_space<vmem>>, vector<16xi32>,
    %add3A_558 = arith.constant 1104 : i32
    %add3A_559 = vector.broadcast %add3A_558 : i32 to vector<16xi32>
    %add3A_560 = arith.addi %mul3A_7, %add3A_559 : vector<16xi32>
    %gather3A_561 = tpu.vector_load_idx %arg5[%add3A_560] : memref<1536xi32, #tpu.memory_space<vmem>>[vector<16xi32>], vector<16xi32>,
    %add3A_562 = arith.constant 1105 : i32
    %add3A_563 = vector.broadcast %add3A_562 : i32 to vector<16xi32>
    %add3A_564 = arith.addi %mul3A_7, %add3A_563 : vector<16xi32>
    %gather3A_565 = tpu.vector_load_idx %arg5[%add3A_564] : memref<1536xi32, #tpu.memory_space<vmem>>[vector<16xi32>], vector<16xi32>,
    %add3A_566 = arith.constant 1106 : i32
    %add3A_567 = vector.broadcast %add3A_566 : i32 to vector<16xi32>
    %add3A_568 = arith.addi %mul3A_7, %add3A_567 : vector<16xi32>
    %gather3A_569 = tpu.vector_load_idx %arg5[%add3A_568] : memref<1536xi32, #tpu.memory_space<vmem>>[vector<16xi32>], vector<16xi32>,
    %mul3A_570 = arith.constant 10000 : i32
    %mul3A_571 = vector.broadcast %mul3A_570 : i32 to vector<16xi32>
    %mul3A_572 = arith.muli %gather3A_561, %mul3A_571 : vector<16xi32>
    %mul3A_573 = arith.constant 100 : i32
    %mul3A_574 = vector.broadcast %mul3A_573 : i32 to vector<16xi32>
    %mul3A_575 = arith.muli %gather3A_565, %mul3A_574 : vector<16xi32>
    %add3A_576 = arith.addi %mul3A_572, %mul3A_575 : vector<16xi32>
    %add3A_577 = arith.addi %add3A_576, %gather3A_569 : vector<16xi32>
    %swap3A_578 = arith.constant 2 : i32
    %swap3A_579 = arith.index_cast %swap3A_578 : i32 to index
    %swap3A_580 = arith.constant 112 : index
    %swap3A_581 = tpu.vector_load %arg6[%swap3A_579, %swap3A_580] {strides = array<i32>} : memref<4x128xi32, #tpu.memory_space<vmem>>, vector<16xi32>,
    tpu.vector_store %arg6[%swap3A_579, %swap3A_580], %add3A_577 {strides = array<i32>} : memref<4x128xi32, #tpu.memory_space<vmem>>, vector<16xi32>,
    %add3A_582 = arith.constant 1152 : i32
    %add3A_583 = vector.broadcast %add3A_582 : i32 to vector<16xi32>
    %add3A_584 = arith.addi %mul3A_7, %add3A_583 : vector<16xi32>
    %gather3A_585 = tpu.vector_load_idx %arg5[%add3A_584] : memref<1536xi32, #tpu.memory_space<vmem>>[vector<16xi32>], vector<16xi32>,
    %add3A_586 = arith.constant 1153 : i32
    %add3A_587 = vector.broadcast %add3A_586 : i32 to vector<16xi32>
    %add3A_588 = arith.addi %mul3A_7, %add3A_587 : vector<16xi32>
    %gather3A_589 = tpu.vector_load_idx %arg5[%add3A_588] : memref<1536xi32, #tpu.memory_space<vmem>>[vector<16xi32>], vector<16xi32>,
    %add3A_590 = arith.constant 1154 : i32
    %add3A_591 = vector.broadcast %add3A_590 : i32 to vector<16xi32>
    %add3A_592 = arith.addi %mul3A_7, %add3A_591 : vector<16xi32>
    %gather3A_593 = tpu.vector_load_idx %arg5[%add3A_592] : memref<1536xi32, #tpu.memory_space<vmem>>[vector<16xi32>], vector<16xi32>,
    %mul3A_594 = arith.constant 10000 : i32
    %mul3A_595 = vector.broadcast %mul3A_594 : i32 to vector<16xi32>
    %mul3A_596 = arith.muli %gather3A_585, %mul3A_595 : vector<16xi32>
    %mul3A_597 = arith.constant 100 : i32
    %mul3A_598 = vector.broadcast %mul3A_597 : i32 to vector<16xi32>
    %mul3A_599 = arith.muli %gather3A_589, %mul3A_598 : vector<16xi32>
    %add3A_600 = arith.addi %mul3A_596, %mul3A_599 : vector<16xi32>
    %add3A_601 = arith.addi %add3A_600, %gather3A_593 : vector<16xi32>
    %swap3A_602 = arith.constant 3 : i32
    %swap3A_603 = arith.index_cast %swap3A_602 : i32 to index
    %swap3A_604 = arith.constant 0 : index
    %swap3A_605 = tpu.vector_load %arg6[%swap3A_603, %swap3A_604] {strides = array<i32>} : memref<4x128xi32, #tpu.memory_space<vmem>>, vector<16xi32>,
    tpu.vector_store %arg6[%swap3A_603, %swap3A_604], %add3A_601 {strides = array<i32>} : memref<4x128xi32, #tpu.memory_space<vmem>>, vector<16xi32>,
    %add3A_606 = arith.constant 1200 : i32
    %add3A_607 = vector.broadcast %add3A_606 : i32 to vector<16xi32>
    %add3A_608 = arith.addi %mul3A_7, %add3A_607 : vector<16xi32>
    %gather3A_609 = tpu.vector_load_idx %arg5[%add3A_608] : memref<1536xi32, #tpu.memory_space<vmem>>[vector<16xi32>], vector<16xi32>,
    %add3A_610 = arith.constant 1201 : i32
    %add3A_611 = vector.broadcast %add3A_610 : i32 to vector<16xi32>
    %add3A_612 = arith.addi %mul3A_7, %add3A_611 : vector<16xi32>
    %gather3A_613 = tpu.vector_load_idx %arg5[%add3A_612] : memref<1536xi32, #tpu.memory_space<vmem>>[vector<16xi32>], vector<16xi32>,
    %add3A_614 = arith.constant 1202 : i32
    %add3A_615 = vector.broadcast %add3A_614 : i32 to vector<16xi32>
    %add3A_616 = arith.addi %mul3A_7, %add3A_615 : vector<16xi32>
    %gather3A_617 = tpu.vector_load_idx %arg5[%add3A_616] : memref<1536xi32, #tpu.memory_space<vmem>>[vector<16xi32>], vector<16xi32>,
    %mul3A_618 = arith.constant 10000 : i32
    %mul3A_619 = vector.broadcast %mul3A_618 : i32 to vector<16xi32>
    %mul3A_620 = arith.muli %gather3A_609, %mul3A_619 : vector<16xi32>
    %mul3A_621 = arith.constant 100 : i32
    %mul3A_622 = vector.broadcast %mul3A_621 : i32 to vector<16xi32>
    %mul3A_623 = arith.muli %gather3A_613, %mul3A_622 : vector<16xi32>
    %add3A_624 = arith.addi %mul3A_620, %mul3A_623 : vector<16xi32>
    %add3A_625 = arith.addi %add3A_624, %gather3A_617 : vector<16xi32>
    %swap3A_626 = arith.constant 3 : i32
    %swap3A_627 = arith.index_cast %swap3A_626 : i32 to index
    %swap3A_628 = arith.constant 16 : index
    %swap3A_629 = tpu.vector_load %arg6[%swap3A_627, %swap3A_628] {strides = array<i32>} : memref<4x128xi32, #tpu.memory_space<vmem>>, vector<16xi32>,
    tpu.vector_store %arg6[%swap3A_627, %swap3A_628], %add3A_625 {strides = array<i32>} : memref<4x128xi32, #tpu.memory_space<vmem>>, vector<16xi32>,
    %add3A_630 = arith.constant 1248 : i32
    %add3A_631 = vector.broadcast %add3A_630 : i32 to vector<16xi32>
    %add3A_632 = arith.addi %mul3A_7, %add3A_631 : vector<16xi32>
    %gather3A_633 = tpu.vector_load_idx %arg5[%add3A_632] : memref<1536xi32, #tpu.memory_space<vmem>>[vector<16xi32>], vector<16xi32>,
    %add3A_634 = arith.constant 1249 : i32
    %add3A_635 = vector.broadcast %add3A_634 : i32 to vector<16xi32>
    %add3A_636 = arith.addi %mul3A_7, %add3A_635 : vector<16xi32>
    %gather3A_637 = tpu.vector_load_idx %arg5[%add3A_636] : memref<1536xi32, #tpu.memory_space<vmem>>[vector<16xi32>], vector<16xi32>,
    %add3A_638 = arith.constant 1250 : i32
    %add3A_639 = vector.broadcast %add3A_638 : i32 to vector<16xi32>
    %add3A_640 = arith.addi %mul3A_7, %add3A_639 : vector<16xi32>
    %gather3A_641 = tpu.vector_load_idx %arg5[%add3A_640] : memref<1536xi32, #tpu.memory_space<vmem>>[vector<16xi32>], vector<16xi32>,
    %mul3A_642 = arith.constant 10000 : i32
    %mul3A_643 = vector.broadcast %mul3A_642 : i32 to vector<16xi32>
    %mul3A_644 = arith.muli %gather3A_633, %mul3A_643 : vector<16xi32>
    %mul3A_645 = arith.constant 100 : i32
    %mul3A_646 = vector.broadcast %mul3A_645 : i32 to vector<16xi32>
    %mul3A_647 = arith.muli %gather3A_637, %mul3A_646 : vector<16xi32>
    %add3A_648 = arith.addi %mul3A_644, %mul3A_647 : vector<16xi32>
    %add3A_649 = arith.addi %add3A_648, %gather3A_641 : vector<16xi32>
    %swap3A_650 = arith.constant 3 : i32
    %swap3A_651 = arith.index_cast %swap3A_650 : i32 to index
    %swap3A_652 = arith.constant 32 : index
    %swap3A_653 = tpu.vector_load %arg6[%swap3A_651, %swap3A_652] {strides = array<i32>} : memref<4x128xi32, #tpu.memory_space<vmem>>, vector<16xi32>,
    tpu.vector_store %arg6[%swap3A_651, %swap3A_652], %add3A_649 {strides = array<i32>} : memref<4x128xi32, #tpu.memory_space<vmem>>, vector<16xi32>,
    %add3A_654 = arith.constant 1296 : i32
    %add3A_655 = vector.broadcast %add3A_654 : i32 to vector<16xi32>
    %add3A_656 = arith.addi %mul3A_7, %add3A_655 : vector<16xi32>
    %gather3A_657 = tpu.vector_load_idx %arg5[%add3A_656] : memref<1536xi32, #tpu.memory_space<vmem>>[vector<16xi32>], vector<16xi32>,
    %add3A_658 = arith.constant 1297 : i32
    %add3A_659 = vector.broadcast %add3A_658 : i32 to vector<16xi32>
    %add3A_660 = arith.addi %mul3A_7, %add3A_659 : vector<16xi32>
    %gather3A_661 = tpu.vector_load_idx %arg5[%add3A_660] : memref<1536xi32, #tpu.memory_space<vmem>>[vector<16xi32>], vector<16xi32>,
    %add3A_662 = arith.constant 1298 : i32
    %add3A_663 = vector.broadcast %add3A_662 : i32 to vector<16xi32>
    %add3A_664 = arith.addi %mul3A_7, %add3A_663 : vector<16xi32>
    %gather3A_665 = tpu.vector_load_idx %arg5[%add3A_664] : memref<1536xi32, #tpu.memory_space<vmem>>[vector<16xi32>], vector<16xi32>,
    %mul3A_666 = arith.constant 10000 : i32
    %mul3A_667 = vector.broadcast %mul3A_666 : i32 to vector<16xi32>
    %mul3A_668 = arith.muli %gather3A_657, %mul3A_667 : vector<16xi32>
    %mul3A_669 = arith.constant 100 : i32
    %mul3A_670 = vector.broadcast %mul3A_669 : i32 to vector<16xi32>
    %mul3A_671 = arith.muli %gather3A_661, %mul3A_670 : vector<16xi32>
    %add3A_672 = arith.addi %mul3A_668, %mul3A_671 : vector<16xi32>
    %add3A_673 = arith.addi %add3A_672, %gather3A_665 : vector<16xi32>
    %swap3A_674 = arith.constant 3 : i32
    %swap3A_675 = arith.index_cast %swap3A_674 : i32 to index
    %swap3A_676 = arith.constant 48 : index
    %swap3A_677 = tpu.vector_load %arg6[%swap3A_675, %swap3A_676] {strides = array<i32>} : memref<4x128xi32, #tpu.memory_space<vmem>>, vector<16xi32>,
    tpu.vector_store %arg6[%swap3A_675, %swap3A_676], %add3A_673 {strides = array<i32>} : memref<4x128xi32, #tpu.memory_space<vmem>>, vector<16xi32>,
    %add3A_678 = arith.constant 1344 : i32
    %add3A_679 = vector.broadcast %add3A_678 : i32 to vector<16xi32>
    %add3A_680 = arith.addi %mul3A_7, %add3A_679 : vector<16xi32>
    %gather3A_681 = tpu.vector_load_idx %arg5[%add3A_680] : memref<1536xi32, #tpu.memory_space<vmem>>[vector<16xi32>], vector<16xi32>,
    %add3A_682 = arith.constant 1345 : i32
    %add3A_683 = vector.broadcast %add3A_682 : i32 to vector<16xi32>
    %add3A_684 = arith.addi %mul3A_7, %add3A_683 : vector<16xi32>
    %gather3A_685 = tpu.vector_load_idx %arg5[%add3A_684] : memref<1536xi32, #tpu.memory_space<vmem>>[vector<16xi32>], vector<16xi32>,
    %add3A_686 = arith.constant 1346 : i32
    %add3A_687 = vector.broadcast %add3A_686 : i32 to vector<16xi32>
    %add3A_688 = arith.addi %mul3A_7, %add3A_687 : vector<16xi32>
    %gather3A_689 = tpu.vector_load_idx %arg5[%add3A_688] : memref<1536xi32, #tpu.memory_space<vmem>>[vector<16xi32>], vector<16xi32>,
    %mul3A_690 = arith.constant 10000 : i32
    %mul3A_691 = vector.broadcast %mul3A_690 : i32 to vector<16xi32>
    %mul3A_692 = arith.muli %gather3A_681, %mul3A_691 : vector<16xi32>
    %mul3A_693 = arith.constant 100 : i32
    %mul3A_694 = vector.broadcast %mul3A_693 : i32 to vector<16xi32>
    %mul3A_695 = arith.muli %gather3A_685, %mul3A_694 : vector<16xi32>
    %add3A_696 = arith.addi %mul3A_692, %mul3A_695 : vector<16xi32>
    %add3A_697 = arith.addi %add3A_696, %gather3A_689 : vector<16xi32>
    %swap3A_698 = arith.constant 3 : i32
    %swap3A_699 = arith.index_cast %swap3A_698 : i32 to index
    %swap3A_700 = arith.constant 64 : index
    %swap3A_701 = tpu.vector_load %arg6[%swap3A_699, %swap3A_700] {strides = array<i32>} : memref<4x128xi32, #tpu.memory_space<vmem>>, vector<16xi32>,
    tpu.vector_store %arg6[%swap3A_699, %swap3A_700], %add3A_697 {strides = array<i32>} : memref<4x128xi32, #tpu.memory_space<vmem>>, vector<16xi32>,
    %add3A_702 = arith.constant 1392 : i32
    %add3A_703 = vector.broadcast %add3A_702 : i32 to vector<16xi32>
    %add3A_704 = arith.addi %mul3A_7, %add3A_703 : vector<16xi32>
    %gather3A_705 = tpu.vector_load_idx %arg5[%add3A_704] : memref<1536xi32, #tpu.memory_space<vmem>>[vector<16xi32>], vector<16xi32>,
    %add3A_706 = arith.constant 1393 : i32
    %add3A_707 = vector.broadcast %add3A_706 : i32 to vector<16xi32>
    %add3A_708 = arith.addi %mul3A_7, %add3A_707 : vector<16xi32>
    %gather3A_709 = tpu.vector_load_idx %arg5[%add3A_708] : memref<1536xi32, #tpu.memory_space<vmem>>[vector<16xi32>], vector<16xi32>,
    %add3A_710 = arith.constant 1394 : i32
    %add3A_711 = vector.broadcast %add3A_710 : i32 to vector<16xi32>
    %add3A_712 = arith.addi %mul3A_7, %add3A_711 : vector<16xi32>
    %gather3A_713 = tpu.vector_load_idx %arg5[%add3A_712] : memref<1536xi32, #tpu.memory_space<vmem>>[vector<16xi32>], vector<16xi32>,
    %mul3A_714 = arith.constant 10000 : i32
    %mul3A_715 = vector.broadcast %mul3A_714 : i32 to vector<16xi32>
    %mul3A_716 = arith.muli %gather3A_705, %mul3A_715 : vector<16xi32>
    %mul3A_717 = arith.constant 100 : i32
    %mul3A_718 = vector.broadcast %mul3A_717 : i32 to vector<16xi32>
    %mul3A_719 = arith.muli %gather3A_709, %mul3A_718 : vector<16xi32>
    %add3A_720 = arith.addi %mul3A_716, %mul3A_719 : vector<16xi32>
    %add3A_721 = arith.addi %add3A_720, %gather3A_713 : vector<16xi32>
    %swap3A_722 = arith.constant 3 : i32
    %swap3A_723 = arith.index_cast %swap3A_722 : i32 to index
    %swap3A_724 = arith.constant 80 : index
    %swap3A_725 = tpu.vector_load %arg6[%swap3A_723, %swap3A_724] {strides = array<i32>} : memref<4x128xi32, #tpu.memory_space<vmem>>, vector<16xi32>,
    tpu.vector_store %arg6[%swap3A_723, %swap3A_724], %add3A_721 {strides = array<i32>} : memref<4x128xi32, #tpu.memory_space<vmem>>, vector<16xi32>,
    %add3A_726 = arith.constant 1440 : i32
    %add3A_727 = vector.broadcast %add3A_726 : i32 to vector<16xi32>
    %add3A_728 = arith.addi %mul3A_7, %add3A_727 : vector<16xi32>
    %gather3A_729 = tpu.vector_load_idx %arg5[%add3A_728] : memref<1536xi32, #tpu.memory_space<vmem>>[vector<16xi32>], vector<16xi32>,
    %add3A_730 = arith.constant 1441 : i32
    %add3A_731 = vector.broadcast %add3A_730 : i32 to vector<16xi32>
    %add3A_732 = arith.addi %mul3A_7, %add3A_731 : vector<16xi32>
    %gather3A_733 = tpu.vector_load_idx %arg5[%add3A_732] : memref<1536xi32, #tpu.memory_space<vmem>>[vector<16xi32>], vector<16xi32>,
    %add3A_734 = arith.constant 1442 : i32
    %add3A_735 = vector.broadcast %add3A_734 : i32 to vector<16xi32>
    %add3A_736 = arith.addi %mul3A_7, %add3A_735 : vector<16xi32>
    %gather3A_737 = tpu.vector_load_idx %arg5[%add3A_736] : memref<1536xi32, #tpu.memory_space<vmem>>[vector<16xi32>], vector<16xi32>,
    %mul3A_738 = arith.constant 10000 : i32
    %mul3A_739 = vector.broadcast %mul3A_738 : i32 to vector<16xi32>
    %mul3A_740 = arith.muli %gather3A_729, %mul3A_739 : vector<16xi32>
    %mul3A_741 = arith.constant 100 : i32
    %mul3A_742 = vector.broadcast %mul3A_741 : i32 to vector<16xi32>
    %mul3A_743 = arith.muli %gather3A_733, %mul3A_742 : vector<16xi32>
    %add3A_744 = arith.addi %mul3A_740, %mul3A_743 : vector<16xi32>
    %add3A_745 = arith.addi %add3A_744, %gather3A_737 : vector<16xi32>
    %swap3A_746 = arith.constant 3 : i32
    %swap3A_747 = arith.index_cast %swap3A_746 : i32 to index
    %swap3A_748 = arith.constant 96 : index
    %swap3A_749 = tpu.vector_load %arg6[%swap3A_747, %swap3A_748] {strides = array<i32>} : memref<4x128xi32, #tpu.memory_space<vmem>>, vector<16xi32>,
    tpu.vector_store %arg6[%swap3A_747, %swap3A_748], %add3A_745 {strides = array<i32>} : memref<4x128xi32, #tpu.memory_space<vmem>>, vector<16xi32>,
    %add3A_750 = arith.constant 1488 : i32
    %add3A_751 = vector.broadcast %add3A_750 : i32 to vector<16xi32>
    %add3A_752 = arith.addi %mul3A_7, %add3A_751 : vector<16xi32>
    %gather3A_753 = tpu.vector_load_idx %arg5[%add3A_752] : memref<1536xi32, #tpu.memory_space<vmem>>[vector<16xi32>], vector<16xi32>,
    %add3A_754 = arith.constant 1489 : i32
    %add3A_755 = vector.broadcast %add3A_754 : i32 to vector<16xi32>
    %add3A_756 = arith.addi %mul3A_7, %add3A_755 : vector<16xi32>
    %gather3A_757 = tpu.vector_load_idx %arg5[%add3A_756] : memref<1536xi32, #tpu.memory_space<vmem>>[vector<16xi32>], vector<16xi32>,
    %add3A_758 = arith.constant 1490 : i32
    %add3A_759 = vector.broadcast %add3A_758 : i32 to vector<16xi32>
    %add3A_760 = arith.addi %mul3A_7, %add3A_759 : vector<16xi32>
    %gather3A_761 = tpu.vector_load_idx %arg5[%add3A_760] : memref<1536xi32, #tpu.memory_space<vmem>>[vector<16xi32>], vector<16xi32>,
    %mul3A_762 = arith.constant 10000 : i32
    %mul3A_763 = vector.broadcast %mul3A_762 : i32 to vector<16xi32>
    %mul3A_764 = arith.muli %gather3A_753, %mul3A_763 : vector<16xi32>
    %mul3A_765 = arith.constant 100 : i32
    %mul3A_766 = vector.broadcast %mul3A_765 : i32 to vector<16xi32>
    %mul3A_767 = arith.muli %gather3A_757, %mul3A_766 : vector<16xi32>
    %add3A_768 = arith.addi %mul3A_764, %mul3A_767 : vector<16xi32>
    %add3A_769 = arith.addi %add3A_768, %gather3A_761 : vector<16xi32>
    %swap3A_770 = arith.constant 3 : i32
    %swap3A_771 = arith.index_cast %swap3A_770 : i32 to index
    %swap3A_772 = arith.constant 112 : index
    %swap3A_773 = tpu.vector_load %arg6[%swap3A_771, %swap3A_772] {strides = array<i32>} : memref<4x128xi32, #tpu.memory_space<vmem>>, vector<16xi32>,
    tpu.vector_store %arg6[%swap3A_771, %swap3A_772], %add3A_769 {strides = array<i32>} : memref<4x128xi32, #tpu.memory_space<vmem>>, vector<16xi32>,
    %dma_start3A = arith.constant 0 : i32
    %dma_start3A_774 = arith.constant 0 : i32
    %dma_start3A_775 = tpu.memref_slice %arg7[%dma_start3A_774] : memref<512xf32, #tpu.memory_space<vmem>> -> memref<128xf32, #tpu.memory_space<vmem>>
    %dma_start3A_776 = arith.constant 0 : i32
    %dma_start3A_777 = tpu.memref_slice %arg6[%dma_start3A, %dma_start3A_776] : memref<4x128xi32, #tpu.memory_space<vmem>> -> memref<1x128xi32, #tpu.memory_space<vmem>>
    %dma_start3A_778 = tpu.memref_squeeze %dma_start3A_777 : memref<1x128xi32, #tpu.memory_space<vmem>> -> memref<128xi32, #tpu.memory_space<vmem>>
    %dma_start3A_779 = arith.constant 0 : i32
    %dma_start3A_780 = tpu.memref_slice %arg3[%dma_start3A_779] : memref<1000000xf32, #tpu.memory_space<hbm>> -> memref<1000000xf32, #tpu.memory_space<hbm>>
    tpu.enqueue_indirect_dma source(%dma_start3A_780 : memref<1000000xf32, #tpu.memory_space<hbm>>) target(%dma_start3A_775 : memref<128xf32, #tpu.memory_space<vmem>>) offsets(%dma_start3A_778 : memref<128xi32, #tpu.memory_space<vmem>>) semaphore(%arg8 : memref<!tpu.dma_semaphore, #tpu.memory_space<semaphore_mem>>)
    %dma_start3A_781 = arith.constant 1 : i32
    %dma_start3A_782 = arith.constant 128 : i32
    %dma_start3A_783 = tpu.memref_slice %arg7[%dma_start3A_782] : memref<512xf32, #tpu.memory_space<vmem>> -> memref<128xf32, #tpu.memory_space<vmem>>
    %dma_start3A_784 = arith.constant 0 : i32
    %dma_start3A_785 = tpu.memref_slice %arg6[%dma_start3A_781, %dma_start3A_784] : memref<4x128xi32, #tpu.memory_space<vmem>> -> memref<1x128xi32, #tpu.memory_space<vmem>>
    %dma_start3A_786 = tpu.memref_squeeze %dma_start3A_785 : memref<1x128xi32, #tpu.memory_space<vmem>> -> memref<128xi32, #tpu.memory_space<vmem>>
    %dma_start3A_787 = arith.constant 0 : i32
    %dma_start3A_788 = tpu.memref_slice %arg3[%dma_start3A_787] : memref<1000000xf32, #tpu.memory_space<hbm>> -> memref<1000000xf32, #tpu.memory_space<hbm>>
    tpu.enqueue_indirect_dma source(%dma_start3A_788 : memref<1000000xf32, #tpu.memory_space<hbm>>) target(%dma_start3A_783 : memref<128xf32, #tpu.memory_space<vmem>>) offsets(%dma_start3A_786 : memref<128xi32, #tpu.memory_space<vmem>>) semaphore(%arg8 : memref<!tpu.dma_semaphore, #tpu.memory_space<semaphore_mem>>)
    %dma_start3A_789 = arith.constant 2 : i32
    %dma_start3A_790 = arith.constant 256 : i32
    %dma_start3A_791 = tpu.memref_slice %arg7[%dma_start3A_790] : memref<512xf32, #tpu.memory_space<vmem>> -> memref<128xf32, #tpu.memory_space<vmem>>
    %dma_start3A_792 = arith.constant 0 : i32
    %dma_start3A_793 = tpu.memref_slice %arg6[%dma_start3A_789, %dma_start3A_792] : memref<4x128xi32, #tpu.memory_space<vmem>> -> memref<1x128xi32, #tpu.memory_space<vmem>>
    %dma_start3A_794 = tpu.memref_squeeze %dma_start3A_793 : memref<1x128xi32, #tpu.memory_space<vmem>> -> memref<128xi32, #tpu.memory_space<vmem>>
    %dma_start3A_795 = arith.constant 0 : i32
    %dma_start3A_796 = tpu.memref_slice %arg3[%dma_start3A_795] : memref<1000000xf32, #tpu.memory_space<hbm>> -> memref<1000000xf32, #tpu.memory_space<hbm>>
    tpu.enqueue_indirect_dma source(%dma_start3A_796 : memref<1000000xf32, #tpu.memory_space<hbm>>) target(%dma_start3A_791 : memref<128xf32, #tpu.memory_space<vmem>>) offsets(%dma_start3A_794 : memref<128xi32, #tpu.memory_space<vmem>>) semaphore(%arg8 : memref<!tpu.dma_semaphore, #tpu.memory_space<semaphore_mem>>)
    %dma_start3A_797 = arith.constant 3 : i32
    %dma_start3A_798 = arith.constant 384 : i32
    %dma_start3A_799 = tpu.memref_slice %arg7[%dma_start3A_798] : memref<512xf32, #tpu.memory_space<vmem>> -> memref<128xf32, #tpu.memory_space<vmem>>
    %dma_start3A_800 = arith.constant 0 : i32
    %dma_start3A_801 = tpu.memref_slice %arg6[%dma_start3A_797, %dma_start3A_800] : memref<4x128xi32, #tpu.memory_space<vmem>> -> memref<1x128xi32, #tpu.memory_space<vmem>>
    %dma_start3A_802 = tpu.memref_squeeze %dma_start3A_801 : memref<1x128xi32, #tpu.memory_space<vmem>> -> memref<128xi32, #tpu.memory_space<vmem>>
    %dma_start3A_803 = arith.constant 0 : i32
    %dma_start3A_804 = tpu.memref_slice %arg3[%dma_start3A_803] : memref<1000000xf32, #tpu.memory_space<hbm>> -> memref<1000000xf32, #tpu.memory_space<hbm>>
    tpu.enqueue_indirect_dma source(%dma_start3A_804 : memref<1000000xf32, #tpu.memory_space<hbm>>) target(%dma_start3A_799 : memref<128xf32, #tpu.memory_space<vmem>>) offsets(%dma_start3A_802 : memref<128xi32, #tpu.memory_space<vmem>>) semaphore(%arg8 : memref<!tpu.dma_semaphore, #tpu.memory_space<semaphore_mem>>)
    %dma_wait3A = arith.constant 0 : i32
    %dma_wait3A_805 = arith.constant 0 : i32
    %dma_wait3A_806 = tpu.memref_slice %arg7[%dma_wait3A_805] : memref<512xf32, #tpu.memory_space<vmem>> -> memref<128xf32, #tpu.memory_space<vmem>>
    %dma_wait3A_807 = arith.constant 0 : i32
    %dma_wait3A_808 = tpu.memref_slice %arg6[%dma_wait3A, %dma_wait3A_807] : memref<4x128xi32, #tpu.memory_space<vmem>> -> memref<1x128xi32, #tpu.memory_space<vmem>>
    %dma_wait3A_809 = tpu.memref_squeeze %dma_wait3A_808 : memref<1x128xi32, #tpu.memory_space<vmem>> -> memref<128xi32, #tpu.memory_space<vmem>>
    %dma_wait3A_810 = arith.constant 0 : i32
    %dma_wait3A_811 = tpu.memref_slice %arg3[%dma_wait3A_810] : memref<1000000xf32, #tpu.memory_space<hbm>> -> memref<1000000xf32, #tpu.memory_space<hbm>>
    tpu.wait_indirect_dma semaphore(%arg8 : memref<!tpu.dma_semaphore, #tpu.memory_space<semaphore_mem>>) src(%dma_wait3A_811 : memref<1000000xf32, #tpu.memory_space<hbm>>) dst(%dma_wait3A_806 : memref<128xf32, #tpu.memory_space<vmem>>)
    %dma_wait3A_812 = arith.constant 1 : i32
    %dma_wait3A_813 = arith.constant 128 : i32
    %dma_wait3A_814 = tpu.memref_slice %arg7[%dma_wait3A_813] : memref<512xf32, #tpu.memory_space<vmem>> -> memref<128xf32, #tpu.memory_space<vmem>>
    %dma_wait3A_815 = arith.constant 0 : i32
    %dma_wait3A_816 = tpu.memref_slice %arg6[%dma_wait3A_812, %dma_wait3A_815] : memref<4x128xi32, #tpu.memory_space<vmem>> -> memref<1x128xi32, #tpu.memory_space<vmem>>
    %dma_wait3A_817 = tpu.memref_squeeze %dma_wait3A_816 : memref<1x128xi32, #tpu.memory_space<vmem>> -> memref<128xi32, #tpu.memory_space<vmem>>
    %dma_wait3A_818 = arith.constant 0 : i32
    %dma_wait3A_819 = tpu.memref_slice %arg3[%dma_wait3A_818] : memref<1000000xf32, #tpu.memory_space<hbm>> -> memref<1000000xf32, #tpu.memory_space<hbm>>
    tpu.wait_indirect_dma semaphore(%arg8 : memref<!tpu.dma_semaphore, #tpu.memory_space<semaphore_mem>>) src(%dma_wait3A_819 : memref<1000000xf32, #tpu.memory_space<hbm>>) dst(%dma_wait3A_814 : memref<128xf32, #tpu.memory_space<vmem>>)
    %dma_wait3A_820 = arith.constant 2 : i32
    %dma_wait3A_821 = arith.constant 256 : i32
    %dma_wait3A_822 = tpu.memref_slice %arg7[%dma_wait3A_821] : memref<512xf32, #tpu.memory_space<vmem>> -> memref<128xf32, #tpu.memory_space<vmem>>
    %dma_wait3A_823 = arith.constant 0 : i32
    %dma_wait3A_824 = tpu.memref_slice %arg6[%dma_wait3A_820, %dma_wait3A_823] : memref<4x128xi32, #tpu.memory_space<vmem>> -> memref<1x128xi32, #tpu.memory_space<vmem>>
    %dma_wait3A_825 = tpu.memref_squeeze %dma_wait3A_824 : memref<1x128xi32, #tpu.memory_space<vmem>> -> memref<128xi32, #tpu.memory_space<vmem>>
    %dma_wait3A_826 = arith.constant 0 : i32
    %dma_wait3A_827 = tpu.memref_slice %arg3[%dma_wait3A_826] : memref<1000000xf32, #tpu.memory_space<hbm>> -> memref<1000000xf32, #tpu.memory_space<hbm>>
    tpu.wait_indirect_dma semaphore(%arg8 : memref<!tpu.dma_semaphore, #tpu.memory_space<semaphore_mem>>) src(%dma_wait3A_827 : memref<1000000xf32, #tpu.memory_space<hbm>>) dst(%dma_wait3A_822 : memref<128xf32, #tpu.memory_space<vmem>>)
    %dma_wait3A_828 = arith.constant 3 : i32
    %dma_wait3A_829 = arith.constant 384 : i32
    %dma_wait3A_830 = tpu.memref_slice %arg7[%dma_wait3A_829] : memref<512xf32, #tpu.memory_space<vmem>> -> memref<128xf32, #tpu.memory_space<vmem>>
    %dma_wait3A_831 = arith.constant 0 : i32
    %dma_wait3A_832 = tpu.memref_slice %arg6[%dma_wait3A_828, %dma_wait3A_831] : memref<4x128xi32, #tpu.memory_space<vmem>> -> memref<1x128xi32, #tpu.memory_space<vmem>>
    %dma_wait3A_833 = tpu.memref_squeeze %dma_wait3A_832 : memref<1x128xi32, #tpu.memory_space<vmem>> -> memref<128xi32, #tpu.memory_space<vmem>>
    %dma_wait3A_834 = arith.constant 0 : i32
    %dma_wait3A_835 = tpu.memref_slice %arg3[%dma_wait3A_834] : memref<1000000xf32, #tpu.memory_space<hbm>> -> memref<1000000xf32, #tpu.memory_space<hbm>>
    tpu.wait_indirect_dma semaphore(%arg8 : memref<!tpu.dma_semaphore, #tpu.memory_space<semaphore_mem>>) src(%dma_wait3A_835 : memref<1000000xf32, #tpu.memory_space<hbm>>) dst(%dma_wait3A_830 : memref<128xf32, #tpu.memory_space<vmem>>)
    "tpu.region"() ({
      %run_scoped3A = tpu.sem_alloc : memref<!tpu.dma_semaphore, #tpu.memory_space<semaphore_mem>>
      %dma_start3A_836 = tpu.memref_slice %arg4[%mul3A_2] : memref<16384xf32, #tpu.memory_space<hbm>> -> memref<512xf32, #tpu.memory_space<hbm>>
      %dma_start3A_837 = tpu.memref_slice %arg4[%mul3A_2] : memref<16384xf32, #tpu.memory_space<hbm>> -> memref<512xf32, #tpu.memory_space<hbm>>
      tpu.enqueue_dma source(%arg7 : memref<512xf32, #tpu.memory_space<vmem>>) target(%dma_start3A_837 : memref<512xf32, #tpu.memory_space<hbm>>) target_semaphore(%run_scoped3A : memref<!tpu.dma_semaphore, #tpu.memory_space<semaphore_mem>>)
      %dma_wait3A_838 = tpu.memref_slice %arg4[%mul3A_2] : memref<16384xf32, #tpu.memory_space<hbm>> -> memref<512xf32, #tpu.memory_space<hbm>>
      %dma_wait3A_839 = tpu.memref_slice %arg4[%mul3A_2] : memref<16384xf32, #tpu.memory_space<hbm>> -> memref<512xf32, #tpu.memory_space<hbm>>
      tpu.wait_dma2 semaphore(%run_scoped3A : memref<!tpu.dma_semaphore, #tpu.memory_space<semaphore_mem>>) src(%arg7 : memref<512xf32, #tpu.memory_space<vmem>>) dst(%dma_wait3A_839 : memref<512xf32, #tpu.memory_space<hbm>>)
      tpu.yield
    }) : () -> ()
    return
  }
}

</mosaic_0001>

<sc_bundles>
// kernel: _sc_gather.3.cloned.1.call-start
scs
__scs_entry_jumppad:
0x0: {  	(pc) =	sbr.rel $0x88, $3  }
0x1: {  	(tag) =	ssettag $0x0;
	lr =	simm.s32 $0x1  }
0x2: {  	[smem:$0x3F9F] =	sst lr;
	_ =	strace $0xD0000000  }
0x3: {  	_ = 	snop  }
0x4: {  	_ = 	snop  }
0x5: {  	_ = 	snop  }
0x6: {  	_ = 	snop  }
0x7: {  	_ = 	snop  }
__scs_overlays_trampoline_lowered:
0x8: {  	[smem:$0x3FAE] =	sst s0  }
0x9: {  	[smem:$0x3FAF] =	sst s1  }
0xa: {  	[smem:$0x3FB0] =	sst s2  }
0xb: {  	[smem:$0x3FB1] =	sst s3  }
0xc: {  	[smem:$0x3FB2] =	sst s4  }
0xd: {  	[smem:$0x3FB3] =	sst s5  }
0xe: {  	[smem:$0x3FB4] =	sst s6  }
0xf: {  	[smem:$0x3FB5] =	sst s7  }
0x10: {  	[smem:$0x3FB6] =	sst s8  }
0x11: {  	[smem:$0x3FB7] =	sst s9;
	s0 =	simm.s32 @!p0 $0x0  }
0x12: {  	s1 =	sld [smem:$0x3F9D];
	s0 =	simm.s32 @p0 $0x1  }
0x13: {  	[smem:$0x3FB8] =	sst s0;
	s0 =	simm.s32 @!p1 $0x0  }
0x14: {  	s2 =	sld [smem:$0x3F9C];
	s0 =	simm.s32 @p1 $0x1  }
0x15: {  	[smem:$0x3FB9] =	sst s0;
	s0 =	simm.s32 @!p2 $0x0  }
0x16: {  	s3 =	sld [smem:$0x3FDB];
	s0 =	simm.s32 @p2 $0x1  }
0x17: {  	s4 =	simm.s32 $0x1BF5;
	[smem:$0x3FBB] =	sst s0  }
0x18: {  	s0 =	sld [smem:$0x3F9E];
	_ =	swait.ge [sflag:s4], $0x0  }
0x19: {  	s7 =	sld [smem:$0x3F9F]  }
0x1a: {  	s8 =	sadd.s32 $0xFFFFE003, lr  }
0x1b: {  	s9 =	sadd.s32 $0xFFFFFEF7, lr;
	s5 =	simm.s32 $0xFFFFFFFF;
	p2 =	slt.u32 s8, $0xFFFFF086  }
0x1c: {  	p1 =	slt.u32 s9, $0xF7A;
	s5 =	simm.s32 @!p2 $0x0  }
0x1d: {  	s5 =	simm.s32 @p1 $0x1;
	p0 =	seq.s32 s7, s2  }
0x1e: {  	s7 =	smul.u32 @!p0 $0xF7A, s2;
	p2 =	seq.s32 @!p0 s5, $0x0  }
0x1f: {  	s9 =	smul.u32 $0xF7A, s1;
	s8 =	simm.s32 @!p0 $0x1BF5;
	p2 =	por !p2, p0  }
0x20: {  	[sflag:s8] =	ssyncset.s32 @!p0 $0xFFFFF086;
	s6 =	sadd.s32 @!p0 s3, s7;
	s7 =	simm.s32 @!p0 $0x108  }
0x21: {  	s3 =	sadd.s32 s3, s9;
	s6 =	sadd.s32 @!p0 $0x88, s6;
	s7 =	simm.s32 @p2 $0x1082  }
0x22: {  	[simem:s7], [sflag:s8] =	dma.local @!p0 [hbm:s6], $0xF7A  }
0x23: {  	s9 =	sor.u32 $0xD0000000, s2;
	s6 =	simm.s32 $0x108;
	_ =	swait.ge @!p0 [sflag:s8], $0x0  }
0x24: {  	s3 =	sadd.s32 $0x88, s3;
	s6 =	simm.s32 @!p1 $0x1082;
	[sflag:s4] =	ssyncset.s32 $0xFFFFF086  }
0x25: {  	[simem:s6], [sflag:s4] =	dma.local [hbm:s3], $0xF7A  }
0x26: {  	[smem:$0x3F9F] =	sst s1;
	(tag) =	ssettag s2;
	_ =	strace s9  }
0x27: {  	s1 =	sld [smem:$0x3FAF]  }
0x28: {  	s2 =	sld [smem:$0x3FB0]  }
0x29: {  	s4 =	sld [smem:$0x3FB2]  }
0x2a: {  	p0 =	seq.s32 s5, $0x0;
	s5 =	sld [smem:$0x3FB3]  }
0x2b: {  	s6 =	sld [smem:$0x3FB4]  }
0x2c: {  	s7 =	sld [smem:$0x3FB5]  }
0x2d: {  	s3 =	simm.s32 $0x108;
	s8 =	sld [smem:$0x3FB6]  }
0x2e: {  	s3 =	simm.s32 @!p0 $0x1082;
	s9 =	sld [smem:$0x3FB7]  }
0x2f: {  	lr =	sadd.s32 s0, s3;
	s0 =	sld [smem:$0x3FAE]  }
0x30: {  	s3 =	sld [smem:$0x3FB1]  }
0x31: {  	[smem:$0x3FBA] =	sst s10  }
0x32: {  	s10 =	sld [smem:$0x3FB8];
	_ =	sdelay $0x3  }
0x33: {  	p0 =	seq.s32 s10, $0x1;
	s10 =	sld [smem:$0x3FBA];
	_ =	sdelay $0x3  }
0x34: {  	[smem:$0x3FBA] =	sst s10  }
0x35: {  	s10 =	sld [smem:$0x3FB9];
	_ =	sdelay $0x3  }
0x36: {  	p1 =	seq.s32 s10, $0x1;
	s10 =	sld [smem:$0x3FBA];
	_ =	sdelay $0x3  }
0x37: {  	[smem:$0x3FBA] =	sst s10  }
0x38: {  	s10 =	sld [smem:$0x3FBB]  }
0x39: {  	_ = 	snop;
	(pc) =	sbr.ind lr, $3  }
0x3a: {  	_ = 	snop  }
0x3b: {  	_ = 	snop  }
0x3c: {  	p2 =	seq.s32 s10, $0x1;
	s10 =	sld [smem:$0x3FBA]  }
0x3d: {  	_ =	shalt  }
0x3e: {  	_ =	shalt  }
0x3f: {  	_ =	shalt  }
0x40: {  	_ =	shalt  }
0x41: {  	_ =	shalt  }
0x42: {  	_ =	shalt  }
0x43: {  	_ =	shalt  }
0x44: {  	_ =	shalt  }
0x45: {  	_ =	shalt  }
0x46: {  	_ =	shalt  }
0x47: {  	_ =	shalt  }
0x48: {  	_ =	shalt  }
0x49: {  	_ =	shalt  }
0x4a: {  	_ =	shalt  }
0x4b: {  	_ =	shalt  }
0x4c: {  	_ =	shalt  }
0x4d: {  	_ =	shalt  }
0x4e: {  	_ =	shalt  }
0x4f: {  	_ =	shalt  }
0x50: {  	_ =	shalt  }
0x51: {  	_ =	shalt  }
0x52: {  	_ =	shalt  }
0x53: {  	_ =	shalt  }
0x54: {  	_ =	shalt  }
0x55: {  	_ =	shalt  }
0x56: {  	_ =	shalt  }
0x57: {  	_ =	shalt  }
0x58: {  	_ =	shalt  }
0x59: {  	_ =	shalt  }
0x5a: {  	_ =	shalt  }
0x5b: {  	_ =	shalt  }
0x5c: {  	_ =	shalt  }
0x5d: {  	_ =	shalt  }
0x5e: {  	_ =	shalt  }
0x5f: {  	_ =	shalt  }
0x60: {  	_ =	shalt  }
0x61: {  	_ =	shalt  }
0x62: {  	_ =	shalt  }
0x63: {  	_ =	shalt  }
0x64: {  	_ =	shalt  }
0x65: {  	_ =	shalt  }
0x66: {  	_ =	shalt  }
0x67: {  	_ =	shalt  }
0x68: {  	_ =	shalt  }
0x69: {  	_ =	shalt  }
0x6a: {  	_ =	shalt  }
0x6b: {  	_ =	shalt  }
0x6c: {  	_ =	shalt  }
0x6d: {  	_ =	shalt  }
0x6e: {  	_ =	shalt  }
0x6f: {  	_ =	shalt  }
0x70: {  	_ =	shalt  }
0x71: {  	_ =	shalt  }
0x72: {  	_ =	shalt  }
0x73: {  	_ =	shalt  }
0x74: {  	_ =	shalt  }
0x75: {  	_ =	shalt  }
0x76: {  	_ =	shalt  }
0x77: {  	_ =	shalt  }
0x78: {  	_ =	shalt  }
0x79: {  	_ =	shalt  }
0x7a: {  	_ =	shalt  }
0x7b: {  	_ =	shalt  }
0x7c: {  	_ =	shalt  }
0x7d: {  	_ =	shalt  }
0x7e: {  	_ =	shalt  }
0x7f: {  	_ =	shalt  }
0x80: {  	_ =	shalt  }
0x81: {  	_ =	shalt  }
0x82: {  	_ =	shalt  }
0x83: {  	_ =	shalt  }
0x84: {  	_ =	shalt  }
0x85: {  	_ =	shalt  }
0x86: {  	_ =	shalt  }
0x87: {  	_ =	shalt  }
.Lfunc_end0:
.L_simem_size_0:
called_computation_lowered:
.L_overlay_start_0:
0x88: {  	s2 =	sld [smem:$0x3FD9]  }
0x89: {  	s3 =	sld [smem:$0x3FFE];
	_ =	sdelay $0x1  }
0x8a: {  	s1 =	srdreg.scid  }
0x8b: {  	s0 =	sand.u32 $0x1, s1  }
0x8c: {  	s18 =	sshll.u32 s0, $0xA;
	s2 =	sadd.s32 s3, s2  }
0x8d: {  	s2 =	sadd.s32 s2, s18  }
0x8e: {  	[smem:$0x3FC6] =	sst s2  }
0x8f: {  	_ = 	snop  }
0x90: {  	s2 =	sld [smem:$0x3FC9]  }
0x91: {  	s19 =	sld [smem:$0x3FC8]  }
0x92: {  	s4 =	sld [smem:$0x3FD0];
	(tm) =	ssettm $0x1  }
0x93: {  	s5 =	sld [smem:$0x3FFB];
	_ =	sdelay $0x3  }
0x94: {  	_ =	strace s5  }
0x95: {  	s5 =	sld [smem:$0x3FFC];
	_ =	sdelay $0x3  }
0x96: {  	_ =	strace s5  }
0x97: {  	s5 =	sld [smem:$0x3FFD];
	_ =	sdelay $0x3  }
0x98: {  	_ =	strace s5  }
0x99: {  	_ =	strace $0x8FFFFFFF  }
0x9a: {  	s20 =	sld [smem:$0x3FDB];
	_ =	sdelay $0x1  }
0x9b: {  	s6 =	simm.s32 $_scs_section_size  }
0x9c: {  	s7 =	simm.s32 $_size__tile_overlayer_lowered;
	s8 =	simm.s32 $_tile_overlayer_lowered  }
0x9d: {  	s23 =	simm.s32 $0x1BFF;
	s22 =	sshll.u32 s8, $0x1;
	s5 =	sadd.s32 s6, s20  }
0x9e: {  	s9 =	simm.s32 $0x0;
	s21 =	sshll.u32 s7, $0x1;
	s7 =	sadd.s32 s22, s5  }
0x9f: {  	[timem:s9], [sflag:s23] =	dma.local [hbm:s7], s21  }
0xa0: {  	_ =	swait.ge [sflag:s23], s21  }
0xa1: {  	s6 =	ssub.s32 $0x0, s21;
	[sflag:s23] =	ssyncset.done $0x0  }
0xa2: {  	[sflag:s23] =	ssyncadd.s32 s6;
	_ =	sdelay $0x1  }
0xa3: {  	s24 =	simm.s32 $0x1B8B  }
0xa4: {  	_ =	swait.ge [sflag:s24], $0x1  }
0xa5: {  	[sflag:s24] =	ssyncset.done $0x0  }
0xa6: {  	s25 =	simm.s32 $0x1B8E;
	[sflag:s24] =	ssyncadd.s32 $0xFFFFFFFF  }
0xa7: {  	s26 =	simm.s32 $execute0_lowered;
	[smem:$0x3FD2] =	sst s25  }
0xa8: {  	s6 =	sshll.u32 s26, $0x1;
	_ =	strace $0x80000046;
	[dreg:$0x1] =	wrdreg $0xFFFFFFFF  }
0xa9: {  	s28 =	simm.s32 $_size_execute0_lowered;
	s5 =	sadd.s32 s5, s6;
	[dreg:$0x0] =	wrdreg $0x0  }
0xaa: {  	s6 =	sshll.u32 s28, $0x1;
	[dreg:$0x2] =	wrdreg s5  }
0xab: {  	[dreg:$0x3] =	wrdreg s6  }
0xac: {  	[dreg:$0x4] =	wrdreg $0xC0  }
0xad: {  	_ =	task [dreg:s9], $0x5FFFF  }
0xae: {  	[dreg:$0x1] =	wrdreg $0xFFFFFFFF  }
0xaf: {  	[dreg:$0x0] =	wrdreg $0x60  }
0xb0: {  	[dreg:$0x2] =	wrdreg s2  }
0xb1: {  	[dreg:$0x3] =	wrdreg s19  }
0xb2: {  	[dreg:$0x4] =	wrdreg s4  }
0xb3: {  	[dreg:$0x5] =	wrdreg $0x9  }
0xb4: {  	_ =	task.clear_ibuf [dreg:s9], $0x6FFFF;
	_ =	strace $0x90000046  }
0xb5: {  	s29 =	simm.s32 $0x9;
	_ =	strace $0x80000048  }
0xb6: {  	_ =	swait.ge [sflag:s29], $0x1  }
0xb7: {  	[sflag:s29] =	ssyncadd.s32 $0xFFFFFFFF  }
0xb8: {  	_ =	strace $0x90000048  }
0xb9: {  	_ =	sfence  }
0xba: {  	s30 =	sld [smem:$0x0];
	_ =	sdelay $0x2  }
0xbb: {  	s31 =	sshll.u32 s1, $0xD;
	s1 =	sshrl.u32 s1, $0x2  }
0xbc: {  	s3 =	sand.u32 $0x4000, s31;
	s1 =	sadd.s32 s1, s30  }
0xbd: {  	s0 =	sor.u32 s3, s0;
	s1 =	sshll.u32 s1, $0x11  }
0xbe: {  	s0 =	sor.u32 s1, s0  }
0xbf: {  	s0 =	sadd.s32 $0x8F2B, s0  }
0xc0: {  	[sflag:s0] =	ssyncadd.remote.s32 $0x1  }
0xc1: {  	_ =	sfence.sel $0xFFFF  }
0xc2: {  	[dreg:$0x0] =	wrdreg $0xFFFFFFFF;
	(pc) =	sbr.abs _section_cstart, $3  }
0xc3: {  	[dreg:$0x1] =	wrdreg $0xFFFFFFFF  }
0xc4: {  	_ =	task.clear_ibuf [dreg:s9], $0x2FFFF;
	_ =	strace $0x9FFFFFFF  }
0xc5: {  	(tm) =	ssettm $0x7FFFFFFF  }
tec
execute0_lowered:
.L_overlay_start_1:
0x0: {  	(tag) =	ssettag $0x1  }
0x1: {  	v0 =	vlaneseq.u32  }
0x2: {  	v0 =	vmul.u32 $0x3, v0;
	_ =	sdelay $0x1  }
0x3: {  	v1 =	vadd.s32 $0x1, v0;
	v6 =	vadd.s32 $0x60, v0;
	v7 =	vadd.s32 $0x61, v0  }
0x4: {  	v8 =	vadd.s32 $0x62, v0;
	v9 =	vadd.s32 $0x90, v0;
	v10 =	vadd.s32 $0x91, v0  }
0x5: {  	v11 =	vadd.s32 $0x92, v0;
	v12 =	vor.u32 $0xC0, v0;
	v13 =	vadd.s32 $0xC1, v0  }
0x6: {  	v14 =	vadd.s32 $0xC2, v0;
	v15 =	vadd.s32 $0xF0, v0;
	v16 =	vadd.s32 $0xF1, v0  }
0x7: {  	v17 =	vadd.s32 $0xF2, v0;
	v18 =	vadd.s32 $0x120, v0;
	v19 =	vadd.s32 $0x121, v0  }
0x8: {  	v20 =	vadd.s32 $0x122, v0;
	v21 =	vadd.s32 $0x150, v0;
	v22 =	vadd.s32 $0x151, v0  }
0x9: {  	v23 =	vadd.s32 $0x152, v0;
	v24 =	vor.u32 $0x180, v0;
	v25 =	vadd.s32 $0x181, v0  }
0xa: {  	v26 =	vadd.s32 $0x182, v0;
	v27 =	vadd.s32 $0x1B0, v0;
	v28 =	vadd.s32 $0x1B1, v0  }
0xb: {  	v29 =	vadd.s32 $0x1B2, v0;
	v30 =	vadd.s32 $0x1E0, v0;
	v31 =	vadd.s32 $0x1E1, v0  }
0xc: {  	s4 =	rddreg [dreg:$0x0];
	v32 =	vadd.s32 $0x1E2, v0;
	v33 =	vadd.s32 $0x210, v0;
	v34 =	vadd.s32 $0x211, v0  }
0xd: {  	s0 =	rddreg [dreg:$0x1];
	v35 =	vadd.s32 $0x212, v0;
	v36 =	vor.u32 $0x240, v0;
	v37 =	vadd.s32 $0x241, v0  }
0xe: {  	s2 =	srdreg.scid;
	s1 =	stileid.u32;
	v38 =	vadd.s32 $0x242, v0;
	v39 =	vadd.s32 $0x270, v0;
	v40 =	vadd.s32 $0x271, v0  }
0xf: {  	s5 =	rddreg [dreg:$0x2];
	s3 =	simm.s32 $0x0;
	s10 =	simm.s32 $0x800;
	v41 =	vadd.s32 $0x272, v0;
	v42 =	vadd.s32 $0x2A0, v0;
	v43 =	vadd.s32 $0x2A1, v0  }
0x10: {  	s11 =	simm.s32 $0x680;
	s12 =	simm.s32 $0x880;
	s13 =	simm.s32 $0x700;
	v44 =	vadd.s32 $0x2A2, v0;
	v45 =	vadd.s32 $0x2D0, v0;
	v46 =	vadd.s32 $0x2D1, v0  }
0x11: {  	s14 =	simm.s32 $0x900;
	s15 =	simm.s32 $0x780;
	s16 =	simm.s32 $0x980;
	v47 =	vadd.s32 $0x2D2, v0;
	v48 =	vor.u32 $0x300, v0;
	v49 =	vadd.s32 $0x301, v0  }
0x12: {  	s17 =	simm.s32 $0x1;
	s6 =	sand.u32 $0x1, s2;
	s7 =	sshll.u32 s1, $0x1;
	v50 =	vadd.s32 $0x302, v0;
	v51 =	vadd.s32 $0x330, v0;
	[tilespmem:$0x1FFB0] =	vst v1;
	v1 =	vadd.s32 $0x2, v0  }
0x13: {  	s2 =	rddreg [dreg:$0x3];
	s7 =	sor.u32 s6, s7;
	s6 =	ssub.s32 $0x2, s6;
	v52 =	vadd.s32 $0x331, v0;
	v53 =	vadd.s32 $0x332, v0;
	[tilespmem:$0x1FFC0] =	vst v1;
	v1 =	vadd.s32 $0x30, v0  }
0x14: {  	s8 =	smul.u32 $0xC0, s7;
	s9 =	sshrl.u32 s6, $0x1;
	s7 =	sshll.u32 s7, $0x6;
	v54 =	vadd.s32 $0x360, v0;
	v55 =	vadd.s32 $0x361, v0;
	[tilespmem:$0x1FFD0] =	vst v1;
	v1 =	vadd.s32 $0x31, v0  }
0x15: {  	[smem:$0x7FF] =	sst s3;
	v56 =	vadd.s32 $0x362, v0;
	v57 =	vadd.s32 $0x390, v0;
	s6 =	ssub.s32 s6, s9;
	s5 =	sadd.s32 s5, s7;
	[tilespmem:$0x1FFE0] =	vst v1;
	v1 =	vadd.s32 $0x32, v0  }
0x16: {  	v58 =	vadd.s32 $0x391, v0;
	v59 =	vadd.s32 $0x392, v0;
	v60 =	vor.u32 $0x3C0, v0;
	s7 =	simm.s32 $0x2;
	s9 =	simm.s32 $0x600;
	s4 =	sadd.s32 s4, s8;
	[tilespmem:$0x1FFF0] =	vst v1  }
0x17: {  	v61 =	vadd.s32 $0x3C1, v0;
	v62 =	vadd.s32 $0x3C2, v0;
	v63 =	vadd.s32 $0x3F0, v0;
	s6 =	smax.u32 s6, $0x1;
	s8 =	simm.s32 $0x80;
	_ =	strace $0x80000047  }
.LBB2_1:
0x18: {  	[tilespmem:s3], [sflag:$0x2] =	stream.linear.gather [hbm4b:s4+s3], $0x600, $0x38;
	[tilespmem:$0xA00] =	vst v63  }
0x19: {  	_ =	swait.ge [sflag:s7], $0x600  }
0x1a: {  	v2 =	vld [tilespmem:$0x1FFB0];
	_ =	sdelay $0x2  }
0x1b: {  	v3 =	vld [tilespmem:$0x1FFC0];
	_ =	sdelay $0x1  }
0x1c: {  	[sflag:s7] =	ssyncset.done $0x0  }
0x1d: {  	[sflag:s7] =	ssyncadd.s32 $0xFFFFFA00  }
0x1e: {  	v1 =	vld.idx.msk [tilespmem:v0+s3+$0x0], $0xffff  }
0x1f: {  	v2 =	vld.idx.msk [tilespmem:v2+s3+$0x0], $0xffff;
	_ =	sdelay $0x2  }
0x20: {  	v3 =	vld.idx.msk [tilespmem:v3+s3+$0x0], $0xffff;
	_ =	sdelay $0x1  }
0x21: {  	v1 =	vmul.u32 $0x2710, v1;
	v2 =	vmul.u32 $0x64, v2;
	_ =	sdelay $0x1  }
0x22: {  	v1 =	vadd.s32 v1, v2  }
0x23: {  	v2 =	vld [tilespmem:$0x1FFE0];
	v1 =	vadd.s32 v3, v1  }
0x24: {  	[tilespmem:$0x600] =	vst v1;
	v1 =	vld [tilespmem:$0x1FFD0];
	_ =	sdelay $0x2  }
0x25: {  	v3 =	vld [tilespmem:$0x1FFF0];
	_ =	sdelay $0x3  }
0x26: {  	v2 =	vld.idx.msk [tilespmem:v2+s3+$0x0], $0xffff  }
0x27: {  	v1 =	vld.idx.msk [tilespmem:v1+s3+$0x0], $0xffff;
	_ =	sdelay $0x2  }
0x28: {  	v3 =	vld.idx.msk [tilespmem:v3+s3+$0x0], $0xffff;
	_ =	sdelay $0x1  }
0x29: {  	v2 =	vmul.u32 $0x64, v2;
	v1 =	vmul.u32 $0x2710, v1;
	_ =	sdelay $0x1  }
0x2a: {  	v1 =	vadd.s32 v1, v2  }
0x2b: {  	v1 =	vadd.s32 v3, v1  }
0x2c: {  	[tilespmem:$0x610] =	vst v1  }
0x2d: {  	v1 =	vld.idx.msk [tilespmem:v6+s3+$0x0], $0xffff  }
0x2e: {  	v2 =	vld.idx.msk [tilespmem:v7+s3+$0x0], $0xffff;
	_ =	sdelay $0x2  }
0x2f: {  	v3 =	vld.idx.msk [tilespmem:v8+s3+$0x0], $0xffff;
	_ =	sdelay $0x1  }
0x30: {  	v1 =	vmul.u32 $0x2710, v1;
	v2 =	vmul.u32 $0x64, v2;
	_ =	sdelay $0x1  }
0x31: {  	v1 =	vadd.s32 v1, v2  }
0x32: {  	v1 =	vadd.s32 v3, v1  }
0x33: {  	[tilespmem:$0x620] =	vst v1  }
0x34: {  	v1 =	vld.idx.msk [tilespmem:v9+s3+$0x0], $0xffff  }
0x35: {  	v2 =	vld.idx.msk [tilespmem:v10+s3+$0x0], $0xffff;
	_ =	sdelay $0x2  }
0x36: {  	v3 =	vld.idx.msk [tilespmem:v11+s3+$0x0], $0xffff;
	_ =	sdelay $0x1  }
0x37: {  	v1 =	vmul.u32 $0x2710, v1;
	v2 =	vmul.u32 $0x64, v2;
	_ =	sdelay $0x1  }
0x38: {  	v1 =	vadd.s32 v1, v2  }
0x39: {  	v1 =	vadd.s32 v3, v1  }
0x3a: {  	[tilespmem:$0x630] =	vst v1  }
0x3b: {  	v1 =	vld.idx.msk [tilespmem:v12+s3+$0x0], $0xffff  }
0x3c: {  	v2 =	vld.idx.msk [tilespmem:v13+s3+$0x0], $0xffff;
	_ =	sdelay $0x2  }
0x3d: {  	v3 =	vld.idx.msk [tilespmem:v14+s3+$0x0], $0xffff;
	_ =	sdelay $0x1  }
0x3e: {  	v1 =	vmul.u32 $0x2710, v1;
	v2 =	vmul.u32 $0x64, v2;
	_ =	sdelay $0x1  }
0x3f: {  	v1 =	vadd.s32 v1, v2  }
0x40: {  	v1 =	vadd.s32 v3, v1  }
0x41: {  	[tilespmem:$0x640] =	vst v1  }
0x42: {  	v1 =	vld.idx.msk [tilespmem:v15+s3+$0x0], $0xffff  }
0x43: {  	v2 =	vld.idx.msk [tilespmem:v16+s3+$0x0], $0xffff;
	_ =	sdelay $0x2  }
0x44: {  	v3 =	vld.idx.msk [tilespmem:v17+s3+$0x0], $0xffff;
	_ =	sdelay $0x1  }
0x45: {  	v1 =	vmul.u32 $0x2710, v1;
	v2 =	vmul.u32 $0x64, v2;
	_ =	sdelay $0x1  }
0x46: {  	v1 =	vadd.s32 v1, v2  }
0x47: {  	v1 =	vadd.s32 v3, v1  }
0x48: {  	[tilespmem:$0x650] =	vst v1  }
0x49: {  	v1 =	vld.idx.msk [tilespmem:v18+s3+$0x0], $0xffff  }
0x4a: {  	v2 =	vld.idx.msk [tilespmem:v19+s3+$0x0], $0xffff;
	_ =	sdelay $0x2  }
0x4b: {  	v3 =	vld.idx.msk [tilespmem:v20+s3+$0x0], $0xffff;
	_ =	sdelay $0x1  }
0x4c: {  	v1 =	vmul.u32 $0x2710, v1;
	v2 =	vmul.u32 $0x64, v2;
	_ =	sdelay $0x1  }
0x4d: {  	v1 =	vadd.s32 v1, v2  }
0x4e: {  	v1 =	vadd.s32 v3, v1  }
0x4f: {  	[tilespmem:$0x660] =	vst v1  }
0x50: {  	v1 =	vld.idx.msk [tilespmem:v21+s3+$0x0], $0xffff  }
0x51: {  	v2 =	vld.idx.msk [tilespmem:v22+s3+$0x0], $0xffff;
	_ =	sdelay $0x2  }
0x52: {  	v3 =	vld.idx.msk [tilespmem:v23+s3+$0x0], $0xffff;
	_ =	sdelay $0x1  }
0x53: {  	v1 =	vmul.u32 $0x2710, v1;
	v2 =	vmul.u32 $0x64, v2;
	_ =	sdelay $0x1  }
0x54: {  	v1 =	vadd.s32 v1, v2  }
0x55: {  	v1 =	vadd.s32 v3, v1  }
0x56: {  	[tilespmem:$0x670] =	vst v1  }
0x57: {  	v1 =	vld.idx.msk [tilespmem:v24+s3+$0x0], $0xffff  }
0x58: {  	v2 =	vld.idx.msk [tilespmem:v25+s3+$0x0], $0xffff;
	_ =	sdelay $0x2  }
0x59: {  	v3 =	vld.idx.msk [tilespmem:v26+s3+$0x0], $0xffff;
	_ =	sdelay $0x1  }
0x5a: {  	v1 =	vmul.u32 $0x2710, v1;
	v2 =	vmul.u32 $0x64, v2;
	_ =	sdelay $0x1  }
0x5b: {  	v1 =	vadd.s32 v1, v2  }
0x5c: {  	v1 =	vadd.s32 v3, v1  }
0x5d: {  	[tilespmem:$0x680] =	vst v1  }
0x5e: {  	v1 =	vld.idx.msk [tilespmem:v27+s3+$0x0], $0xffff  }
0x5f: {  	v2 =	vld.idx.msk [tilespmem:v28+s3+$0x0], $0xffff;
	_ =	sdelay $0x2  }
0x60: {  	v3 =	vld.idx.msk [tilespmem:v29+s3+$0x0], $0xffff;
	_ =	sdelay $0x1  }
0x61: {  	v1 =	vmul.u32 $0x2710, v1;
	v2 =	vmul.u32 $0x64, v2;
	_ =	sdelay $0x1  }
0x62: {  	v1 =	vadd.s32 v1, v2  }
0x63: {  	v1 =	vadd.s32 v3, v1  }
0x64: {  	[tilespmem:$0x690] =	vst v1  }
0x65: {  	v1 =	vld.idx.msk [tilespmem:v30+s3+$0x0], $0xffff  }
0x66: {  	v2 =	vld.idx.msk [tilespmem:v31+s3+$0x0], $0xffff;
	_ =	sdelay $0x2  }
0x67: {  	v3 =	vld.idx.msk [tilespmem:v32+s3+$0x0], $0xffff;
	_ =	sdelay $0x1  }
0x68: {  	v1 =	vmul.u32 $0x2710, v1;
	v2 =	vmul.u32 $0x64, v2;
	_ =	sdelay $0x1  }
0x69: {  	v1 =	vadd.s32 v1, v2  }
0x6a: {  	v1 =	vadd.s32 v3, v1  }
0x6b: {  	[tilespmem:$0x6A0] =	vst v1  }
0x6c: {  	v1 =	vld.idx.msk [tilespmem:v33+s3+$0x0], $0xffff  }
0x6d: {  	v2 =	vld.idx.msk [tilespmem:v34+s3+$0x0], $0xffff;
	_ =	sdelay $0x2  }
0x6e: {  	v3 =	vld.idx.msk [tilespmem:v35+s3+$0x0], $0xffff;
	_ =	sdelay $0x1  }
0x6f: {  	v1 =	vmul.u32 $0x2710, v1;
	v2 =	vmul.u32 $0x64, v2;
	_ =	sdelay $0x1  }
0x70: {  	v1 =	vadd.s32 v1, v2  }
0x71: {  	v1 =	vadd.s32 v3, v1  }
0x72: {  	[tilespmem:$0x6B0] =	vst v1  }
0x73: {  	v1 =	vld.idx.msk [tilespmem:v36+s3+$0x0], $0xffff  }
0x74: {  	v2 =	vld.idx.msk [tilespmem:v37+s3+$0x0], $0xffff;
	_ =	sdelay $0x2  }
0x75: {  	v3 =	vld.idx.msk [tilespmem:v38+s3+$0x0], $0xffff;
	_ =	sdelay $0x1  }
0x76: {  	v1 =	vmul.u32 $0x2710, v1;
	v2 =	vmul.u32 $0x64, v2;
	_ =	sdelay $0x1  }
0x77: {  	v1 =	vadd.s32 v1, v2  }
0x78: {  	v1 =	vadd.s32 v3, v1  }
0x79: {  	[tilespmem:$0x6C0] =	vst v1  }
0x7a: {  	v1 =	vld.idx.msk [tilespmem:v39+s3+$0x0], $0xffff  }
0x7b: {  	v2 =	vld.idx.msk [tilespmem:v40+s3+$0x0], $0xffff;
	_ =	sdelay $0x2  }
0x7c: {  	v3 =	vld.idx.msk [tilespmem:v41+s3+$0x0], $0xffff;
	_ =	sdelay $0x1  }
0x7d: {  	v1 =	vmul.u32 $0x2710, v1;
	v2 =	vmul.u32 $0x64, v2;
	_ =	sdelay $0x1  }
0x7e: {  	v1 =	vadd.s32 v1, v2  }
0x7f: {  	v1 =	vadd.s32 v3, v1  }
0x80: {  	[tilespmem:$0x6D0] =	vst v1  }
0x81: {  	v1 =	vld.idx.msk [tilespmem:v42+s3+$0x0], $0xffff  }
0x82: {  	v2 =	vld.idx.msk [tilespmem:v43+s3+$0x0], $0xffff;
	_ =	sdelay $0x2  }
0x83: {  	v3 =	vld.idx.msk [tilespmem:v44+s3+$0x0], $0xffff;
	_ =	sdelay $0x1  }
0x84: {  	v1 =	vmul.u32 $0x2710, v1;
	v2 =	vmul.u32 $0x64, v2;
	_ =	sdelay $0x1  }
0x85: {  	v1 =	vadd.s32 v1, v2  }
0x86: {  	v1 =	vadd.s32 v3, v1  }
0x87: {  	[tilespmem:$0x6E0] =	vst v1  }
0x88: {  	v1 =	vld.idx.msk [tilespmem:v45+s3+$0x0], $0xffff  }
0x89: {  	v2 =	vld.idx.msk [tilespmem:v46+s3+$0x0], $0xffff;
	_ =	sdelay $0x2  }
0x8a: {  	v3 =	vld.idx.msk [tilespmem:v47+s3+$0x0], $0xffff;
	_ =	sdelay $0x1  }
0x8b: {  	v1 =	vmul.u32 $0x2710, v1;
	v2 =	vmul.u32 $0x64, v2;
	_ =	sdelay $0x1  }
0x8c: {  	v1 =	vadd.s32 v1, v2  }
0x8d: {  	v1 =	vadd.s32 v3, v1  }
0x8e: {  	[tilespmem:$0x6F0] =	vst v1  }
0x8f: {  	v1 =	vld.idx.msk [tilespmem:v48+s3+$0x0], $0xffff  }
0x90: {  	v2 =	vld.idx.msk [tilespmem:v49+s3+$0x0], $0xffff;
	_ =	sdelay $0x2  }
0x91: {  	v3 =	vld.idx.msk [tilespmem:v50+s3+$0x0], $0xffff;
	_ =	sdelay $0x1  }
0x92: {  	v1 =	vmul.u32 $0x2710, v1;
	v2 =	vmul.u32 $0x64, v2;
	_ =	sdelay $0x1  }
0x93: {  	v1 =	vadd.s32 v1, v2  }
0x94: {  	v1 =	vadd.s32 v3, v1  }
0x95: {  	[tilespmem:$0x700] =	vst v1  }
0x96: {  	v1 =	vld.idx.msk [tilespmem:v51+s3+$0x0], $0xffff  }
0x97: {  	v2 =	vld.idx.msk [tilespmem:v52+s3+$0x0], $0xffff;
	_ =	sdelay $0x2  }
0x98: {  	v3 =	vld.idx.msk [tilespmem:v53+s3+$0x0], $0xffff;
	_ =	sdelay $0x1  }
0x99: {  	v1 =	vmul.u32 $0x2710, v1;
	v2 =	vmul.u32 $0x64, v2;
	_ =	sdelay $0x1  }
0x9a: {  	v1 =	vadd.s32 v1, v2  }
0x9b: {  	v1 =	vadd.s32 v3, v1  }
0x9c: {  	[tilespmem:$0x710] =	vst v1  }
0x9d: {  	v1 =	vld.idx.msk [tilespmem:v54+s3+$0x0], $0xffff  }
0x9e: {  	v2 =	vld.idx.msk [tilespmem:v55+s3+$0x0], $0xffff;
	_ =	sdelay $0x2  }
0x9f: {  	v3 =	vld.idx.msk [tilespmem:v56+s3+$0x0], $0xffff;
	_ =	sdelay $0x1  }
0xa0: {  	v1 =	vmul.u32 $0x2710, v1;
	v2 =	vmul.u32 $0x64, v2;
	_ =	sdelay $0x1  }
0xa1: {  	v1 =	vadd.s32 v1, v2  }
0xa2: {  	v1 =	vadd.s32 v3, v1  }
0xa3: {  	[tilespmem:$0x720] =	vst v1  }
0xa4: {  	v1 =	vld.idx.msk [tilespmem:v57+s3+$0x0], $0xffff  }
0xa5: {  	v2 =	vld.idx.msk [tilespmem:v58+s3+$0x0], $0xffff;
	_ =	sdelay $0x2  }
0xa6: {  	v3 =	vld.idx.msk [tilespmem:v59+s3+$0x0], $0xffff;
	_ =	sdelay $0x1  }
0xa7: {  	v1 =	vmul.u32 $0x2710, v1;
	v2 =	vmul.u32 $0x64, v2;
	_ =	sdelay $0x1  }
0xa8: {  	v1 =	vadd.s32 v1, v2  }
0xa9: {  	v1 =	vadd.s32 v3, v1  }
0xaa: {  	[tilespmem:$0x730] =	vst v1  }
0xab: {  	v1 =	vld.idx.msk [tilespmem:v60+s3+$0x0], $0xffff  }
0xac: {  	v2 =	vld.idx.msk [tilespmem:v61+s3+$0x0], $0xffff;
	_ =	sdelay $0x2  }
0xad: {  	v3 =	vld.idx.msk [tilespmem:v62+s3+$0x0], $0xffff;
	_ =	sdelay $0x1  }
0xae: {  	v1 =	vmul.u32 $0x2710, v1;
	v2 =	vmul.u32 $0x64, v2  }
0xaf: {  	v4 =	vadd.s32 $0x3F1, v0  }
0xb0: {  	v1 =	vadd.s32 v1, v2  }
0xb1: {  	v1 =	vadd.s32 v3, v1  }
0xb2: {  	[tilespmem:$0x740] =	vst v1;
	v1 =	vadd.s32 $0x3F2, v0  }
0xb3: {  	v2 =	vld.idx.msk [tilespmem:v63+s3+$0x0], $0xffff  }
0xb4: {  	v3 =	vld.idx.msk [tilespmem:v4+s3+$0x0], $0xffff;
	_ =	sdelay $0x2  }
0xb5: {  	v1 =	vld.idx.msk [tilespmem:v1+s3+$0x0], $0xffff;
	_ =	sdelay $0x1  }
0xb6: {  	v4 =	vadd.s32 $0x420, v0;
	v2 =	vmul.u32 $0x2710, v2;
	v3 =	vmul.u32 $0x64, v3  }
0xb7: {  	v5 =	vadd.s32 $0x421, v0  }
0xb8: {  	v2 =	vadd.s32 v2, v3  }
0xb9: {  	v1 =	vadd.s32 v1, v2  }
0xba: {  	[tilespmem:$0x750] =	vst v1;
	v1 =	vadd.s32 $0x422, v0  }
0xbb: {  	v2 =	vld.idx.msk [tilespmem:v4+s3+$0x0], $0xffff  }
0xbc: {  	v3 =	vld.idx.msk [tilespmem:v5+s3+$0x0], $0xffff;
	_ =	sdelay $0x2  }
0xbd: {  	v1 =	vld.idx.msk [tilespmem:v1+s3+$0x0], $0xffff;
	_ =	sdelay $0x1  }
0xbe: {  	v4 =	vadd.s32 $0x450, v0;
	v2 =	vmul.u32 $0x2710, v2;
	v3 =	vmul.u32 $0x64, v3  }
0xbf: {  	v5 =	vadd.s32 $0x451, v0  }
0xc0: {  	v2 =	vadd.s32 v2, v3  }
0xc1: {  	v1 =	vadd.s32 v1, v2  }
0xc2: {  	[tilespmem:$0x760] =	vst v1;
	v1 =	vadd.s32 $0x452, v0  }
0xc3: {  	v2 =	vld.idx.msk [tilespmem:v4+s3+$0x0], $0xffff  }
0xc4: {  	v3 =	vld.idx.msk [tilespmem:v5+s3+$0x0], $0xffff;
	_ =	sdelay $0x2  }
0xc5: {  	v1 =	vld.idx.msk [tilespmem:v1+s3+$0x0], $0xffff;
	_ =	sdelay $0x1  }
0xc6: {  	v4 =	vor.u32 $0x480, v0;
	v2 =	vmul.u32 $0x2710, v2;
	v3 =	vmul.u32 $0x64, v3  }
0xc7: {  	v5 =	vadd.s32 $0x481, v0  }
0xc8: {  	v2 =	vadd.s32 v2, v3  }
0xc9: {  	v1 =	vadd.s32 v1, v2  }
0xca: {  	[tilespmem:$0x770] =	vst v1;
	v1 =	vadd.s32 $0x482, v0  }
0xcb: {  	v2 =	vld.idx.msk [tilespmem:v4+s3+$0x0], $0xffff  }
0xcc: {  	v3 =	vld.idx.msk [tilespmem:v5+s3+$0x0], $0xffff;
	_ =	sdelay $0x2  }
0xcd: {  	v1 =	vld.idx.msk [tilespmem:v1+s3+$0x0], $0xffff;
	_ =	sdelay $0x1  }
0xce: {  	v4 =	vadd.s32 $0x4B0, v0;
	v2 =	vmul.u32 $0x2710, v2;
	v3 =	vmul.u32 $0x64, v3  }
0xcf: {  	v5 =	vadd.s32 $0x4B1, v0  }
0xd0: {  	v2 =	vadd.s32 v2, v3  }
0xd1: {  	v1 =	vadd.s32 v1, v2  }
0xd2: {  	[tilespmem:$0x780] =	vst v1;
	v1 =	vadd.s32 $0x4B2, v0  }
0xd3: {  	v2 =	vld.idx.msk [tilespmem:v4+s3+$0x0], $0xffff  }
0xd4: {  	v3 =	vld.idx.msk [tilespmem:v5+s3+$0x0], $0xffff;
	_ =	sdelay $0x2  }
0xd5: {  	v1 =	vld.idx.msk [tilespmem:v1+s3+$0x0], $0xffff;
	_ =	sdelay $0x1  }
0xd6: {  	v4 =	vadd.s32 $0x4E0, v0;
	v2 =	vmul.u32 $0x2710, v2;
	v3 =	vmul.u32 $0x64, v3  }
0xd7: {  	v5 =	vadd.s32 $0x4E1, v0  }
0xd8: {  	v2 =	vadd.s32 v2, v3  }
0xd9: {  	v1 =	vadd.s32 v1, v2  }
0xda: {  	[tilespmem:$0x790] =	vst v1;
	v1 =	vadd.s32 $0x4E2, v0  }
0xdb: {  	v2 =	vld.idx.msk [tilespmem:v4+s3+$0x0], $0xffff  }
0xdc: {  	v3 =	vld.idx.msk [tilespmem:v5+s3+$0x0], $0xffff;
	_ =	sdelay $0x2  }
0xdd: {  	v1 =	vld.idx.msk [tilespmem:v1+s3+$0x0], $0xffff;
	_ =	sdelay $0x1  }
0xde: {  	v4 =	vadd.s32 $0x510, v0;
	v2 =	vmul.u32 $0x2710, v2;
	v3 =	vmul.u32 $0x64, v3  }
0xdf: {  	v5 =	vadd.s32 $0x511, v0  }
0xe0: {  	v2 =	vadd.s32 v2, v3  }
0xe1: {  	v1 =	vadd.s32 v1, v2  }
0xe2: {  	[tilespmem:$0x7A0] =	vst v1;
	v1 =	vadd.s32 $0x512, v0  }
0xe3: {  	v2 =	vld.idx.msk [tilespmem:v4+s3+$0x0], $0xffff  }
0xe4: {  	v3 =	vld.idx.msk [tilespmem:v5+s3+$0x0], $0xffff;
	_ =	sdelay $0x2  }
0xe5: {  	v1 =	vld.idx.msk [tilespmem:v1+s3+$0x0], $0xffff;
	_ =	sdelay $0x1  }
0xe6: {  	v4 =	vor.u32 $0x540, v0;
	v2 =	vmul.u32 $0x2710, v2;
	v3 =	vmul.u32 $0x64, v3  }
0xe7: {  	v5 =	vadd.s32 $0x541, v0  }
0xe8: {  	v2 =	vadd.s32 v2, v3  }
0xe9: {  	v1 =	vadd.s32 v1, v2  }
0xea: {  	[tilespmem:$0x7B0] =	vst v1;
	v1 =	vadd.s32 $0x542, v0  }
0xeb: {  	v2 =	vld.idx.msk [tilespmem:v4+s3+$0x0], $0xffff  }
0xec: {  	v3 =	vld.idx.msk [tilespmem:v5+s3+$0x0], $0xffff;
	_ =	sdelay $0x2  }
0xed: {  	v1 =	vld.idx.msk [tilespmem:v1+s3+$0x0], $0xffff;
	_ =	sdelay $0x1  }
0xee: {  	v4 =	vadd.s32 $0x570, v0;
	v2 =	vmul.u32 $0x2710, v2;
	v3 =	vmul.u32 $0x64, v3  }
0xef: {  	v5 =	vadd.s32 $0x571, v0  }
0xf0: {  	v2 =	vadd.s32 v2, v3  }
0xf1: {  	v1 =	vadd.s32 v1, v2  }
0xf2: {  	[tilespmem:$0x7C0] =	vst v1;
	v1 =	vadd.s32 $0x572, v0  }
0xf3: {  	v2 =	vld.idx.msk [tilespmem:v4+s3+$0x0], $0xffff  }
0xf4: {  	v3 =	vld.idx.msk [tilespmem:v5+s3+$0x0], $0xffff;
	_ =	sdelay $0x2  }
0xf5: {  	v1 =	vld.idx.msk [tilespmem:v1+s3+$0x0], $0xffff;
	_ =	sdelay $0x1  }
0xf6: {  	v4 =	vadd.s32 $0x5A0, v0;
	v2 =	vmul.u32 $0x2710, v2;
	v3 =	vmul.u32 $0x64, v3  }
0xf7: {  	v5 =	vadd.s32 $0x5A1, v0  }
0xf8: {  	v2 =	vadd.s32 v2, v3  }
0xf9: {  	v1 =	vadd.s32 v1, v2  }
0xfa: {  	[tilespmem:$0x7D0] =	vst v1;
	v1 =	vadd.s32 $0x5A2, v0  }
0xfb: {  	v2 =	vld.idx.msk [tilespmem:v4+s3+$0x0], $0xffff  }
0xfc: {  	v3 =	vld.idx.msk [tilespmem:v5+s3+$0x0], $0xffff;
	_ =	sdelay $0x2  }
0xfd: {  	v1 =	vld.idx.msk [tilespmem:v1+s3+$0x0], $0xffff;
	_ =	sdelay $0x1  }
0xfe: {  	v4 =	vadd.s32 $0x5D0, v0;
	v2 =	vmul.u32 $0x2710, v2;
	v3 =	vmul.u32 $0x64, v3  }
0xff: {  	v5 =	vadd.s32 $0x5D1, v0  }
0x100: {  	v2 =	vadd.s32 v2, v3  }
0x101: {  	v1 =	vadd.s32 v1, v2  }
0x102: {  	[tilespmem:$0x7E0] =	vst v1;
	v1 =	vadd.s32 $0x5D2, v0  }
0x103: {  	v2 =	vld.idx.msk [tilespmem:v4+s3+$0x0], $0xffff  }
0x104: {  	v3 =	vld.idx.msk [tilespmem:v5+s3+$0x0], $0xffff;
	_ =	sdelay $0x2  }
0x105: {  	v1 =	vld.idx.msk [tilespmem:v1+s3+$0x0], $0xffff;
	_ =	sdelay $0x1  }
0x106: {  	v2 =	vmul.u32 $0x2710, v2;
	v3 =	vmul.u32 $0x64, v3;
	_ =	sdelay $0x1  }
0x107: {  	v2 =	vadd.s32 v2, v3  }
0x108: {  	v1 =	vadd.s32 v1, v2  }
0x109: {  	[tilespmem:$0x7F0] =	vst v1  }
0x10a: {  	[tilespmem:s10], [sflag:$0x1] =	stream.indirect.gather [hbm4b:s0+s8], $0x1, s9, s8, $0xb8;
	[tilespmem:$0xA00] =	vst v63  }
0x10b: {  	_ = 	snop  }
0x10c: {  	[tilespmem:s12], [sflag:$0x1] =	stream.indirect.gather [hbm4b:s0+s8], $0x1, s11, s8, $0xb8;
	[tilespmem:$0xA00] =	vst v63  }
0x10d: {  	_ = 	snop  }
0x10e: {  	[tilespmem:s14], [sflag:$0x1] =	stream.indirect.gather [hbm4b:s0+s8], $0x1, s13, s8, $0xb8;
	[tilespmem:$0xA00] =	vst v63  }
0x10f: {  	_ = 	snop  }
0x110: {  	[tilespmem:s16], [sflag:$0x1] =	stream.indirect.gather [hbm4b:s0+s8], $0x1, s15, s8, $0xb8;
	[tilespmem:$0xA00] =	vst v63  }
0x111: {  	_ =	swait.ge [sflag:s17], $0x80  }
0x112: {  	[sflag:s17] =	ssyncset.done $0x0  }
0x113: {  	[sflag:s17] =	ssyncadd.s32 $0xFFFFFF80  }
0x114: {  	_ =	swait.ge [sflag:s17], $0x80  }
0x115: {  	[sflag:s17] =	ssyncset.done $0x0  }
0x116: {  	[sflag:s17] =	ssyncadd.s32 $0xFFFFFF80  }
0x117: {  	_ =	swait.ge [sflag:s17], $0x80  }
0x118: {  	[sflag:s17] =	ssyncset.done $0x0  }
0x119: {  	[sflag:s17] =	ssyncadd.s32 $0xFFFFFF80  }
0x11a: {  	_ =	swait.ge [sflag:s17], $0x80  }
0x11b: {  	p0 =	sne.s32 s6, $0x1;
	[sflag:s17] =	ssyncset.done $0x0  }
.Ltmp0:
0x11c: {  	[sflag:s17] =	ssyncadd.s32 $0xFFFFFF80;
	(pc) =	sbr.rel @p0 .LBB2_1-.Ltmp0, $4  }
0x11d: {  	[hbm4b:s5+s3] =	stream.linear.scatter [tilespmem:s10], [sflag:$0x2], $0x200, $0x38;
	[tilespmem:$0xA00] =	vst v63  }
0x11e: {  	_ =	swait.ge [sflag:s7], $0x200  }
0x11f: {  	[sflag:s7] =	ssyncset.done $0x0  }
0x120: {  	s6 =	sadd.s32 $0xFFFFFFFF, s6;
	[sflag:s7] =	ssyncadd.s32 $0xFFFFFE00  }
0x121: {  	_ =	sfence.sel $0x180000  }
0x122: {  	[bflag:$0x0] =	sbarrier.arrive $0xFFFF  }
0x123: {  	p0 =	sne.s32 s1, $0x0;
	_ =	strace $0x90000047  }
0x124: {  	s0 =	sadd.s32 @!p0 $0x100000, s2;
	[bflag:$0x2] =	sbarrier.arrive $0xFFFF  }
0x125: {  	[sflag:s0] =	ssyncadd.tile.s32 @!p0 $0x1;
	_ =	shalt  }
.Lfunc_end2:
_tile_overlayer_lowered:
.L_overlay_start_2:
0x126: {  	(tag) =	ssettag $0x2  }
0x127: {  	s0 =	rddreg [dreg:$0x0];
	s2 =	stileid.u32  }
0x128: {  	s1 =	rddreg [dreg:$0x1];
	p0 =	sne.s32 s2, $0x0  }
0x129: {  	s3 =	rddreg [dreg:$0x2];
	[bflag:$0x3] =	sbarrier.arrive $0xFFFF;
	s2 =	simm.s32 @!p0 $0x1C02  }
0x12a: {  	[timem:s3], [sflag:s2] =	dma.local @!p0 [hbm:s0], s1  }
0x12b: {  	s0 =	simm.s32 @!p0 $0x2  }
0x12c: {  	_ =	swait.ge @!p0 [sflag:s0], s1  }
0x12d: {  	s1 =	ssub.s32 @!p0 $0x0, s1;
	[sflag:s0] =	ssyncset.done @!p0 $0x0  }
0x12e: {  	[sflag:s0] =	ssyncadd.s32 @!p0 s1  }
0x12f: {  	[bflag:$0x3] =	sbarrier.arrive $0xFFFF  }
0x130: {  	_ =	shalt  }

</sc_bundles>
